<compile_context>
chip_gen: v7x
topology: tpu7x:2x2x1
jax: 0.10.2.dev20260603
libtpu: 0.0.44.dev20260713+nightly
codegen_flags: <defaults>
</compile_context>

<pallas_src>
import functools

import jax
import jax.numpy as jnp
from jax import lax
from jax.experimental import pallas as pl
from jax.experimental.pallas import tpu as pltpu
from jax.experimental.pallas import tpu_sc as plsc

_BATCH = 4096
_VOCAB = 1000
_DIM = 128

_NC = 2
_NS = 16
_SCB = 1024
_TCB = _BATCH - _SCB
_BB = 512
_BPC = _SCB // _NC
_NCG = _BPC // 16
_OPT = _BPC // _NS
_TROWS = _VOCAB // 8
_NBUF = 2


def _row_sums_body(t_ref, o_ref):
    o_ref[...] = jnp.sum(t_ref[...], axis=1)


def _row_sums(table):
    return pl.pallas_call(
        _row_sums_body,
        out_shape=jax.ShapeDtypeStruct((_VOCAB,), jnp.float32),
    )(table)


def _sc_body(in_hbm, rs_hbm, out_hbm, rsbuf, inbufA, inbufB, acc_s, acc_c,
             outbuf, tmp_s, tmp_c, sh_s, sh_c, sem0, sem1):
    cid = lax.axis_index("c")
    sid = lax.axis_index("s")
    col0 = cid * _BPC
    ntr = jnp.where(sid < _TROWS - 7 * _NS, 8, 7)

    zf = jnp.zeros((16,), jnp.float32)
    zi = jnp.zeros((16,), jnp.int32)
    onef = jnp.ones((16,), jnp.float32)
    lane = lax.iota(jnp.int32, 16)

    pltpu.sync_copy(rs_hbm, rsbuf)

    def zero_body(i, carry):
        acc_s[pl.ds(i * 16, 16)] = zf
        acc_c[pl.ds(i * 16, 16)] = zi
        return carry

    lax.fori_loop(0, _NCG, zero_body, 0)

    inbufs = (inbufA, inbufB)
    sems = (sem0, sem1)

    def _fire(t, b):
        tr = sid + t * _NS
        pltpu.make_async_copy(
            in_hbm.at[pl.ds(tr * 8, 8), pl.ds(col0, _BPC)],
            inbufs[b],
            sems[b],
        ).start()

    def _drain(b):
        pltpu.make_async_copy(
            in_hbm.at[pl.ds(0, 8), pl.ds(col0, _BPC)],
            inbufs[b],
            sems[b],
        ).wait()

    def _compute(t, b):
        ib = inbufs[b]
        tr8 = (sid + t * _NS) * 8
        rsvs = [
            plsc.load_gather(rsbuf, [jnp.full((16,), tr8 + g, jnp.int32)])
            for g in range(8)
        ]

        def c_body(c):
            a_s = acc_s[pl.ds(c * 16, 16)]
            a_c = acc_c[pl.ds(c * 16, 16)]
            for g in range(8):
                x = ib[g, pl.ds(c * 16, 16)]
                a_c = a_c + x
                a_s = a_s + x.astype(jnp.float32) * rsvs[g]
            acc_s[pl.ds(c * 16, 16)] = a_s
            acc_c[pl.ds(c * 16, 16)] = a_c

        plsc.parallel_loop(0, _NCG, 1, unroll=2)(c_body)

    for b in range(_NBUF):
        _fire(b, b)

    def pair_body(p, carry):
        for b in range(_NBUF):
            t = p * _NBUF + b

            @pl.when(t < ntr)
            def _():
                _drain(b)
                _compute(t, b)

                @pl.when(t + _NBUF < ntr)
                def _():
                    _fire(t + _NBUF, b)

        return carry

    lax.fori_loop(0, 4, pair_body, 0)

    pltpu.sync_copy(acc_s, sh_s.at[sid])
    pltpu.sync_copy(acc_c, sh_c.at[sid])
    plsc.subcore_barrier()

    pltpu.sync_copy(sh_s, tmp_s)
    pltpu.sync_copy(sh_c, tmp_c)

    inv_d = jnp.float32(1.0 / _DIM)
    vecs = []
    for cg in range(_OPT // 16):
        tot_s = zf
        tot_c = zi
        for t in range(_NS):
            tot_s = tot_s + tmp_s[t, pl.ds(sid * _OPT + cg * 16, 16)]
            tot_c = tot_c + tmp_c[t, pl.ds(sid * _OPT + cg * 16, 16)]
        vecs.append(
            tot_s * inv_d
            / jnp.maximum(tot_c.astype(jnp.float32), onef))
    rows = [cg * 16 + lane for cg in range(_OPT // 16)]

    def d_body(d, carry):
        dsplat = jnp.full((16,), d, jnp.int32)
        for cg in range(_OPT // 16):
            plsc.store_scatter(outbuf, [rows[cg], dsplat], vecs[cg])
        return carry

    lax.fori_loop(0, _DIM, d_body, 0)

    base = col0 + sid * _OPT
    pltpu.sync_copy(outbuf, out_hbm.at[pl.ds(base, _OPT)])


def _sc_main(inp_t, rs):
    mesh = plsc.VectorSubcoreMesh(core_axis_name="c", subcore_axis_name="s")
    kern = functools.partial(
        pl.kernel,
        out_type=jax.ShapeDtypeStruct((_SCB, _DIM), jnp.float32),
        mesh=mesh,
        compiler_params=pltpu.CompilerParams(needs_layout_passes=False),
        scratch_types=[
            pltpu.VMEM((_VOCAB,), jnp.float32),
            pltpu.VMEM((8, _BPC), jnp.int32),
            pltpu.VMEM((8, _BPC), jnp.int32),
            pltpu.VMEM((_BPC,), jnp.float32),
            pltpu.VMEM((_BPC,), jnp.int32),
            pltpu.VMEM((_OPT, _DIM), jnp.float32),
            pltpu.VMEM((_NS, _BPC), jnp.float32),
            pltpu.VMEM((_NS, _BPC), jnp.int32),
            pltpu.VMEM_SHARED((_NS, _BPC), jnp.float32),
            pltpu.VMEM_SHARED((_NS, _BPC), jnp.int32),
            pltpu.SemaphoreType.DMA,
            pltpu.SemaphoreType.DMA,
        ],
    )(_sc_body)
    return kern(inp_t, rs)


def _tc_body(xt_ref, tab_ref, o_ref):
    x = xt_ref[...]
    rs = jnp.sum(tab_ref[...], axis=1)
    xf = x.astype(jnp.float32)
    sel = jnp.dot(rs, xf, preferred_element_type=jnp.float32)
    cnt = jnp.sum(xf, axis=0)
    scal = sel / (jnp.maximum(cnt, 1.0) * jnp.float32(_DIM))
    o_ref[...] = jnp.broadcast_to(scal[:, None], (_BB, _DIM))


def _tc_part(xt, table):
    return pl.pallas_call(
        _tc_body,
        grid=(_TCB // _BB,),
        in_specs=[
            pl.BlockSpec((_VOCAB, _BB), lambda i: (0, _SCB // _BB + i)),
            pl.BlockSpec((_VOCAB, _DIM), lambda i: (0, 0)),
        ],
        out_specs=pl.BlockSpec((_BB, _DIM), lambda i: (i, 0)),
        out_shape=jax.ShapeDtypeStruct((_TCB, _DIM), jnp.float32),
    )(xt, table)


def kernel(input, table):
    xt = input.T
    rs = _row_sums(table)
    sc_out = _sc_main(xt, rs)
    tc_out = _tc_part(xt, table)
    return jnp.concatenate([sc_out, tc_out], axis=0)

# --- scband reference (transcript-rebuilt; emitter-appended) ---
"""Pipeline reference for scband-embedding-multi-76630806495461 (READ-ONLY COPY).

The authoritative reference and input builder live on the scoring server;
editing this copy changes nothing except your own understanding.
"""

import jax, jax.numpy as jnp
import numpy as np

BATCH = 4096
NUM_GENRES = 1000
EMB_DIM = 128

def setup_inputs(seed: int = 0) -> dict:
    key = jax.random.key(seed)
    k1, k2 = jax.random.split(key)
    # multi-hot 0/1 input of shape (batch, num_genres)
    inp = jax.random.randint(k1, (BATCH, NUM_GENRES), 0, 2, dtype=jnp.int32)
    # embedding table (learned parameter)
    table = jax.random.normal(k2, (NUM_GENRES, EMB_DIM), dtype=jnp.float32)
    return {"input": inp, "table": table}


def reference(input, table):
    # Faithful translation of the torch module.
    # Original per-row logic: indices = nonzero(input[i]);
    #   embeddings = [table[x] for x in indices];
    #   vec = mean(stack(embeddings))   # NOTE: scalar mean over ALL elements
    #   result[i, :] = vec              # scalar broadcast across embedding_dims
    # Equivalent vectorized math (identical values):
    #   scalar_i = sum_{j: input[i,j]!=0} sum_d table[j,d] / (count_i * D)
    D = table.shape[1]
    mask = (input != 0).astype(jnp.float32)              # [B, V]
    row_sums = jnp.sum(table, axis=1)                    # [V] sum over emb dims
    sel_sum = mask @ row_sums                            # [B]
    counts = jnp.sum(mask, axis=1)                       # [B] num selected genres
    denom = jnp.maximum(counts, 1.0) * jnp.float32(D)
    scalar = sel_sum / denom                             # [B]
    result = jnp.broadcast_to(scalar[:, None], (input.shape[0], D))
    return result

if __name__ == "__main__":
    import jax
    _d = setup_inputs()
    print(jax.jit(kernel)(*tuple(_d.values())))

</pallas_src>

<mosaic_0001>
#map = affine_map<(d0, d1) -> (0, 0)>
#map1 = affine_map<(d0, d1) -> (0)>
module attributes {stable_mosaic.version = 14 : i64} {
  func.func @_sc_body(%arg0: i32, %arg1: i32, %arg2: memref<1000x4096xi32, #tpu.memory_space<hbm>>, %arg3: memref<1000xf32, #tpu.memory_space<hbm>>, %arg4: memref<1024x128xf32, #tpu.memory_space<hbm>>, %arg5: memref<1000xf32, #tpu.memory_space<vmem>>, %arg6: memref<8x512xi32, #tpu.memory_space<vmem>>, %arg7: memref<8x512xi32, #tpu.memory_space<vmem>>, %arg8: memref<512xf32, #tpu.memory_space<vmem>>, %arg9: memref<512xi32, #tpu.memory_space<vmem>>, %arg10: memref<32x128xf32, #tpu.memory_space<vmem>>, %arg11: memref<16x512xf32, #tpu.memory_space<vmem>>, %arg12: memref<16x512xi32, #tpu.memory_space<vmem>>, %arg13: memref<16x512xf32, #tpu.memory_space<vmem_shared>>, %arg14: memref<16x512xi32, #tpu.memory_space<vmem_shared>>, %arg15: memref<!tpu.dma_semaphore, #tpu.memory_space<semaphore_mem>>, %arg16: memref<!tpu.dma_semaphore, #tpu.memory_space<semaphore_mem>>) attributes {dimension_semantics = [#tpu.dimension_semantics<core_parallel>, #tpu.dimension_semantics<subcore_parallel>], iteration_bounds = array<i64: 2, 16>, scalar_prefetch = 0 : i64, scratch_operands = 12 : i64, tpu.core_type = #tpu.core_type<sc_vector_subcore>, window_params = [{transform_indices = #map}, {transform_indices = #map1}, {transform_indices = #map}]} {
    %mul3A = arith.constant 512 : i32
    %mul3A_0 = arith.muli %arg0, %mul3A : i32
    %lt3A = arith.constant 13 : i32
    %lt3A_1 = arith.cmpi slt, %arg1, %lt3A : i32
    %jit3A = arith.constant 8 : i32
    %jit3A_2 = arith.constant 7 : i32
    %select_n3A = arith.select %lt3A_1, %jit3A, %jit3A_2 : i32
    %broadcast_in_dim3A = arith.constant 0.000000e+00 : f32
    %broadcast_in_dim3A_3 = vector.broadcast %broadcast_in_dim3A : f32 to vector<16xf32>
    %broadcast_in_dim3A_4 = arith.constant 0 : i32
    %broadcast_in_dim3A_5 = vector.broadcast %broadcast_in_dim3A_4 : i32 to vector<16xi32>
    %broadcast_in_dim3A_6 = arith.constant 1.000000e+00 : f32
    %broadcast_in_dim3A_7 = vector.broadcast %broadcast_in_dim3A_6 : f32 to vector<16xf32>
    %iota3A = tpu.iota {dimensions = array<i32: 0>} : vector<16xi32>
    "tpu.region"() ({
      %run_scoped3A = tpu.sem_alloc : memref<!tpu.dma_semaphore, #tpu.memory_space<semaphore_mem>>
      tpu.enqueue_dma source(%arg3 : memref<1000xf32, #tpu.memory_space<hbm>>) target(%arg5 : memref<1000xf32, #tpu.memory_space<vmem>>) target_semaphore(%run_scoped3A : memref<!tpu.dma_semaphore, #tpu.memory_space<semaphore_mem>>)
      tpu.wait_dma2 semaphore(%run_scoped3A : memref<!tpu.dma_semaphore, #tpu.memory_space<semaphore_mem>>) src(%arg3 : memref<1000xf32, #tpu.memory_space<hbm>>) dst(%arg5 : memref<1000xf32, #tpu.memory_space<vmem>>)
      tpu.yield
    }) : () -> ()
    %scan3A = arith.constant 0 : i32
    %scan3A_8 = arith.constant 0 : i32
    %scan3A_9 = arith.constant 32 : i32
    %scan3A_10 = arith.addi %scan3A_8, %scan3A_9 : i32
    %scan3A_11 = arith.constant 1 : i32
    scf.for %scan3A_628 = %scan3A_8 to %scan3A_10 step %scan3A_11  : i32 {
      %mul3A_629 = arith.constant 16 : i32
      %mul3A_630 = arith.muli %scan3A_628, %mul3A_629 : i32
      %swap3A = arith.index_cast %mul3A_630 : i32 to index
      %swap3A_631 = tpu.vector_load %arg8[%swap3A] {strides = array<i32>} : memref<512xf32, #tpu.memory_space<vmem>>, vector<16xf32>,
      tpu.vector_store %arg8[%swap3A], %broadcast_in_dim3A_3 {strides = array<i32>} : memref<512xf32, #tpu.memory_space<vmem>>, vector<16xf32>,
      %mul3A_632 = arith.constant 16 : i32
      %mul3A_633 = arith.muli %scan3A_628, %mul3A_632 : i32
      %swap3A_634 = arith.index_cast %mul3A_633 : i32 to index
      %swap3A_635 = tpu.vector_load %arg9[%swap3A_634] {strides = array<i32>} : memref<512xi32, #tpu.memory_space<vmem>>, vector<16xi32>,
      tpu.vector_store %arg9[%swap3A_634], %broadcast_in_dim3A_5 {strides = array<i32>} : memref<512xi32, #tpu.memory_space<vmem>>, vector<16xi32>,
    }
    %scan3A_12 = arith.constant 32 : i32
    %add3A = arith.constant 0 : i32
    %add3A_13 = arith.addi %arg1, %add3A : i32
    %mul3A_14 = arith.constant 8 : i32
    %mul3A_15 = arith.muli %add3A_13, %mul3A_14 : i32
    %dma_start3A = tpu.memref_slice %arg2[%mul3A_15, %mul3A_0] : memref<1000x4096xi32, #tpu.memory_space<hbm>> -> memref<8x512xi32, #tpu.memory_space<hbm>>
    %dma_start3A_16 = tpu.memref_slice %arg2[%mul3A_15, %mul3A_0] : memref<1000x4096xi32, #tpu.memory_space<hbm>> -> memref<8x512xi32, #tpu.memory_space<hbm>>
    tpu.enqueue_dma source(%dma_start3A_16 : memref<8x512xi32, #tpu.memory_space<hbm>>) target(%arg6 : memref<8x512xi32, #tpu.memory_space<vmem>>) target_semaphore(%arg15 : memref<!tpu.dma_semaphore, #tpu.memory_space<semaphore_mem>>)
    %add3A_17 = arith.constant 16 : i32
    %add3A_18 = arith.addi %arg1, %add3A_17 : i32
    %mul3A_19 = arith.constant 8 : i32
    %mul3A_20 = arith.muli %add3A_18, %mul3A_19 : i32
    %dma_start3A_21 = tpu.memref_slice %arg2[%mul3A_20, %mul3A_0] : memref<1000x4096xi32, #tpu.memory_space<hbm>> -> memref<8x512xi32, #tpu.memory_space<hbm>>
    %dma_start3A_22 = tpu.memref_slice %arg2[%mul3A_20, %mul3A_0] : memref<1000x4096xi32, #tpu.memory_space<hbm>> -> memref<8x512xi32, #tpu.memory_space<hbm>>
    tpu.enqueue_dma source(%dma_start3A_22 : memref<8x512xi32, #tpu.memory_space<hbm>>) target(%arg7 : memref<8x512xi32, #tpu.memory_space<vmem>>) target_semaphore(%arg16 : memref<!tpu.dma_semaphore, #tpu.memory_space<semaphore_mem>>)
    %scan3A_23 = arith.constant 0 : i32
    %scan3A_24 = arith.constant 0 : i32
    %scan3A_25 = arith.constant 4 : i32
    %scan3A_26 = arith.addi %scan3A_24, %scan3A_25 : i32
    %scan3A_27 = arith.constant 1 : i32
    scf.for %scan3A_628 = %scan3A_24 to %scan3A_26 step %scan3A_27  : i32 {
      %mul3A_629 = arith.constant 2 : i32
      %mul3A_630 = arith.muli %scan3A_628, %mul3A_629 : i32
      %add3A_631 = arith.constant 0 : i32
      %add3A_632 = arith.addi %mul3A_630, %add3A_631 : i32
      %lt3A_633 = arith.cmpi slt, %add3A_632, %select_n3A : i32
      %convert_element_type3A_634 = arith.extui %lt3A_633 : i1 to i32
      %cond3A = arith.constant 0 : i32
      %cond3A_635 = arith.cmpi ne, %convert_element_type3A_634, %cond3A : i32
      scf.if %cond3A_635 {
        %dma_wait3A = arith.constant 0 : i32
        %dma_wait3A_644 = tpu.memref_slice %arg2[%dma_wait3A, %mul3A_0] : memref<1000x4096xi32, #tpu.memory_space<hbm>> -> memref<8x512xi32, #tpu.memory_space<hbm>>
        %dma_wait3A_645 = arith.constant 0 : i32
        %dma_wait3A_646 = tpu.memref_slice %arg2[%dma_wait3A_645, %mul3A_0] : memref<1000x4096xi32, #tpu.memory_space<hbm>> -> memref<8x512xi32, #tpu.memory_space<hbm>>
        tpu.wait_dma2 semaphore(%arg15 : memref<!tpu.dma_semaphore, #tpu.memory_space<semaphore_mem>>) src(%dma_wait3A_646 : memref<8x512xi32, #tpu.memory_space<hbm>>) dst(%arg6 : memref<8x512xi32, #tpu.memory_space<vmem>>)
        %mul3A_647 = arith.constant 16 : i32
        %mul3A_648 = arith.muli %add3A_632, %mul3A_647 : i32
        %add3A_649 = arith.addi %arg1, %mul3A_648 : i32
        %mul3A_650 = arith.constant 8 : i32
        %mul3A_651 = arith.muli %add3A_649, %mul3A_650 : i32
        %add3A_652 = arith.constant 0 : i32
        %add3A_653 = arith.addi %mul3A_651, %add3A_652 : i32
        %broadcast_in_dim3A_654 = vector.broadcast %add3A_653 : i32 to vector<16xi32>
        %gather3A = tpu.vector_load_idx %arg5[%broadcast_in_dim3A_654] : memref<1000xf32, #tpu.memory_space<vmem>>[vector<16xi32>], vector<16xf32>,
        %add3A_655 = arith.constant 1 : i32
        %add3A_656 = arith.addi %mul3A_651, %add3A_655 : i32
        %broadcast_in_dim3A_657 = vector.broadcast %add3A_656 : i32 to vector<16xi32>
        %gather3A_658 = tpu.vector_load_idx %arg5[%broadcast_in_dim3A_657] : memref<1000xf32, #tpu.memory_space<vmem>>[vector<16xi32>], vector<16xf32>,
        %add3A_659 = arith.constant 2 : i32
        %add3A_660 = arith.addi %mul3A_651, %add3A_659 : i32
        %broadcast_in_dim3A_661 = vector.broadcast %add3A_660 : i32 to vector<16xi32>
        %gather3A_662 = tpu.vector_load_idx %arg5[%broadcast_in_dim3A_661] : memref<1000xf32, #tpu.memory_space<vmem>>[vector<16xi32>], vector<16xf32>,
        %add3A_663 = arith.constant 3 : i32
        %add3A_664 = arith.addi %mul3A_651, %add3A_663 : i32
        %broadcast_in_dim3A_665 = vector.broadcast %add3A_664 : i32 to vector<16xi32>
        %gather3A_666 = tpu.vector_load_idx %arg5[%broadcast_in_dim3A_665] : memref<1000xf32, #tpu.memory_space<vmem>>[vector<16xi32>], vector<16xf32>,
        %add3A_667 = arith.constant 4 : i32
        %add3A_668 = arith.addi %mul3A_651, %add3A_667 : i32
        %broadcast_in_dim3A_669 = vector.broadcast %add3A_668 : i32 to vector<16xi32>
        %gather3A_670 = tpu.vector_load_idx %arg5[%broadcast_in_dim3A_669] : memref<1000xf32, #tpu.memory_space<vmem>>[vector<16xi32>], vector<16xf32>,
        %add3A_671 = arith.constant 5 : i32
        %add3A_672 = arith.addi %mul3A_651, %add3A_671 : i32
        %broadcast_in_dim3A_673 = vector.broadcast %add3A_672 : i32 to vector<16xi32>
        %gather3A_674 = tpu.vector_load_idx %arg5[%broadcast_in_dim3A_673] : memref<1000xf32, #tpu.memory_space<vmem>>[vector<16xi32>], vector<16xf32>,
        %add3A_675 = arith.constant 6 : i32
        %add3A_676 = arith.addi %mul3A_651, %add3A_675 : i32
        %broadcast_in_dim3A_677 = vector.broadcast %add3A_676 : i32 to vector<16xi32>
        %gather3A_678 = tpu.vector_load_idx %arg5[%broadcast_in_dim3A_677] : memref<1000xf32, #tpu.memory_space<vmem>>[vector<16xi32>], vector<16xf32>,
        %add3A_679 = arith.constant 7 : i32
        %add3A_680 = arith.addi %mul3A_651, %add3A_679 : i32
        %broadcast_in_dim3A_681 = vector.broadcast %add3A_680 : i32 to vector<16xi32>
        %gather3A_682 = tpu.vector_load_idx %arg5[%broadcast_in_dim3A_681] : memref<1000xf32, #tpu.memory_space<vmem>>[vector<16xi32>], vector<16xf32>,
        %parallel_loop3A = arith.constant 0 : i32
        %parallel_loop3A_683 = arith.constant 32 : i32
        %parallel_loop3A_684 = arith.constant 1 : i32
        scf.for %parallel_loop3A_691 = %parallel_loop3A to %parallel_loop3A_683 step %parallel_loop3A_684  : i32 {
          %parallel_loop3A_692 = arith.constant 16 : i32
          %parallel_loop3A_693 = arith.muli %parallel_loop3A_691, %parallel_loop3A_692 : i32
          %parallel_loop3A_694 = arith.index_cast %parallel_loop3A_693 : i32 to index
          %parallel_loop3A_695 = tpu.vector_load %arg8[%parallel_loop3A_694] {strides = array<i32>} : memref<512xf32, #tpu.memory_space<vmem>>, vector<16xf32>,
          %parallel_loop3A_696 = arith.constant 16 : i32
          %parallel_loop3A_697 = arith.muli %parallel_loop3A_691, %parallel_loop3A_696 : i32
          %parallel_loop3A_698 = arith.index_cast %parallel_loop3A_697 : i32 to index
          %parallel_loop3A_699 = tpu.vector_load %arg9[%parallel_loop3A_698] {strides = array<i32>} : memref<512xi32, #tpu.memory_space<vmem>>, vector<16xi32>,
          %parallel_loop3A_700 = arith.constant 16 : i32
          %parallel_loop3A_701 = arith.muli %parallel_loop3A_691, %parallel_loop3A_700 : i32
          %parallel_loop3A_702 = arith.constant 0 : i32
          %parallel_loop3A_703 = arith.index_cast %parallel_loop3A_702 : i32 to index
          %parallel_loop3A_704 = arith.index_cast %parallel_loop3A_701 : i32 to index
          %parallel_loop3A_705 = tpu.vector_load %arg6[%parallel_loop3A_703, %parallel_loop3A_704] {strides = array<i32>} : memref<8x512xi32, #tpu.memory_space<vmem>>, vector<16xi32>,
          %parallel_loop3A_706 = arith.addi %parallel_loop3A_699, %parallel_loop3A_705 : vector<16xi32>
          %parallel_loop3A_707 = arith.sitofp %parallel_loop3A_705 : vector<16xi32> to vector<16xf32>
          %parallel_loop3A_708 = arith.mulf %parallel_loop3A_707, %gather3A : vector<16xf32>
          %parallel_loop3A_709 = arith.addf %parallel_loop3A_695, %parallel_loop3A_708 : vector<16xf32>
          %parallel_loop3A_710 = arith.constant 16 : i32
          %parallel_loop3A_711 = arith.muli %parallel_loop3A_691, %parallel_loop3A_710 : i32
          %parallel_loop3A_712 = arith.constant 1 : i32
          %parallel_loop3A_713 = arith.index_cast %parallel_loop3A_712 : i32 to index
          %parallel_loop3A_714 = arith.index_cast %parallel_loop3A_711 : i32 to index
          %parallel_loop3A_715 = tpu.vector_load %arg6[%parallel_loop3A_713, %parallel_loop3A_714] {strides = array<i32>} : memref<8x512xi32, #tpu.memory_space<vmem>>, vector<16xi32>,
          %parallel_loop3A_716 = arith.addi %parallel_loop3A_706, %parallel_loop3A_715 : vector<16xi32>
          %parallel_loop3A_717 = arith.sitofp %parallel_loop3A_715 : vector<16xi32> to vector<16xf32>
          %parallel_loop3A_718 = arith.mulf %parallel_loop3A_717, %gather3A_658 : vector<16xf32>
          %parallel_loop3A_719 = arith.addf %parallel_loop3A_709, %parallel_loop3A_718 : vector<16xf32>
          %parallel_loop3A_720 = arith.constant 16 : i32
          %parallel_loop3A_721 = arith.muli %parallel_loop3A_691, %parallel_loop3A_720 : i32
          %parallel_loop3A_722 = arith.constant 2 : i32
          %parallel_loop3A_723 = arith.index_cast %parallel_loop3A_722 : i32 to index
          %parallel_loop3A_724 = arith.index_cast %parallel_loop3A_721 : i32 to index
          %parallel_loop3A_725 = tpu.vector_load %arg6[%parallel_loop3A_723, %parallel_loop3A_724] {strides = array<i32>} : memref<8x512xi32, #tpu.memory_space<vmem>>, vector<16xi32>,
          %parallel_loop3A_726 = arith.addi %parallel_loop3A_716, %parallel_loop3A_725 : vector<16xi32>
          %parallel_loop3A_727 = arith.sitofp %parallel_loop3A_725 : vector<16xi32> to vector<16xf32>
          %parallel_loop3A_728 = arith.mulf %parallel_loop3A_727, %gather3A_662 : vector<16xf32>
          %parallel_loop3A_729 = arith.addf %parallel_loop3A_719, %parallel_loop3A_728 : vector<16xf32>
          %parallel_loop3A_730 = arith.constant 16 : i32
          %parallel_loop3A_731 = arith.muli %parallel_loop3A_691, %parallel_loop3A_730 : i32
          %parallel_loop3A_732 = arith.constant 3 : i32
          %parallel_loop3A_733 = arith.index_cast %parallel_loop3A_732 : i32 to index
          %parallel_loop3A_734 = arith.index_cast %parallel_loop3A_731 : i32 to index
          %parallel_loop3A_735 = tpu.vector_load %arg6[%parallel_loop3A_733, %parallel_loop3A_734] {strides = array<i32>} : memref<8x512xi32, #tpu.memory_space<vmem>>, vector<16xi32>,
          %parallel_loop3A_736 = arith.addi %parallel_loop3A_726, %parallel_loop3A_735 : vector<16xi32>
          %parallel_loop3A_737 = arith.sitofp %parallel_loop3A_735 : vector<16xi32> to vector<16xf32>
          %parallel_loop3A_738 = arith.mulf %parallel_loop3A_737, %gather3A_666 : vector<16xf32>
          %parallel_loop3A_739 = arith.addf %parallel_loop3A_729, %parallel_loop3A_738 : vector<16xf32>
          %parallel_loop3A_740 = arith.constant 16 : i32
          %parallel_loop3A_741 = arith.muli %parallel_loop3A_691, %parallel_loop3A_740 : i32
          %parallel_loop3A_742 = arith.constant 4 : i32
          %parallel_loop3A_743 = arith.index_cast %parallel_loop3A_742 : i32 to index
          %parallel_loop3A_744 = arith.index_cast %parallel_loop3A_741 : i32 to index
          %parallel_loop3A_745 = tpu.vector_load %arg6[%parallel_loop3A_743, %parallel_loop3A_744] {strides = array<i32>} : memref<8x512xi32, #tpu.memory_space<vmem>>, vector<16xi32>,
          %parallel_loop3A_746 = arith.addi %parallel_loop3A_736, %parallel_loop3A_745 : vector<16xi32>
          %parallel_loop3A_747 = arith.sitofp %parallel_loop3A_745 : vector<16xi32> to vector<16xf32>
          %parallel_loop3A_748 = arith.mulf %parallel_loop3A_747, %gather3A_670 : vector<16xf32>
          %parallel_loop3A_749 = arith.addf %parallel_loop3A_739, %parallel_loop3A_748 : vector<16xf32>
          %parallel_loop3A_750 = arith.constant 16 : i32
          %parallel_loop3A_751 = arith.muli %parallel_loop3A_691, %parallel_loop3A_750 : i32
          %parallel_loop3A_752 = arith.constant 5 : i32
          %parallel_loop3A_753 = arith.index_cast %parallel_loop3A_752 : i32 to index
          %parallel_loop3A_754 = arith.index_cast %parallel_loop3A_751 : i32 to index
          %parallel_loop3A_755 = tpu.vector_load %arg6[%parallel_loop3A_753, %parallel_loop3A_754] {strides = array<i32>} : memref<8x512xi32, #tpu.memory_space<vmem>>, vector<16xi32>,
          %parallel_loop3A_756 = arith.addi %parallel_loop3A_746, %parallel_loop3A_755 : vector<16xi32>
          %parallel_loop3A_757 = arith.sitofp %parallel_loop3A_755 : vector<16xi32> to vector<16xf32>
          %parallel_loop3A_758 = arith.mulf %parallel_loop3A_757, %gather3A_674 : vector<16xf32>
          %parallel_loop3A_759 = arith.addf %parallel_loop3A_749, %parallel_loop3A_758 : vector<16xf32>
          %parallel_loop3A_760 = arith.constant 16 : i32
          %parallel_loop3A_761 = arith.muli %parallel_loop3A_691, %parallel_loop3A_760 : i32
          %parallel_loop3A_762 = arith.constant 6 : i32
          %parallel_loop3A_763 = arith.index_cast %parallel_loop3A_762 : i32 to index
          %parallel_loop3A_764 = arith.index_cast %parallel_loop3A_761 : i32 to index
          %parallel_loop3A_765 = tpu.vector_load %arg6[%parallel_loop3A_763, %parallel_loop3A_764] {strides = array<i32>} : memref<8x512xi32, #tpu.memory_space<vmem>>, vector<16xi32>,
          %parallel_loop3A_766 = arith.addi %parallel_loop3A_756, %parallel_loop3A_765 : vector<16xi32>
          %parallel_loop3A_767 = arith.sitofp %parallel_loop3A_765 : vector<16xi32> to vector<16xf32>
          %parallel_loop3A_768 = arith.mulf %parallel_loop3A_767, %gather3A_678 : vector<16xf32>
          %parallel_loop3A_769 = arith.addf %parallel_loop3A_759, %parallel_loop3A_768 : vector<16xf32>
          %parallel_loop3A_770 = arith.constant 16 : i32
          %parallel_loop3A_771 = arith.muli %parallel_loop3A_691, %parallel_loop3A_770 : i32
          %parallel_loop3A_772 = arith.constant 7 : i32
          %parallel_loop3A_773 = arith.index_cast %parallel_loop3A_772 : i32 to index
          %parallel_loop3A_774 = arith.index_cast %parallel_loop3A_771 : i32 to index
          %parallel_loop3A_775 = tpu.vector_load %arg6[%parallel_loop3A_773, %parallel_loop3A_774] {strides = array<i32>} : memref<8x512xi32, #tpu.memory_space<vmem>>, vector<16xi32>,
          %parallel_loop3A_776 = arith.addi %parallel_loop3A_766, %parallel_loop3A_775 : vector<16xi32>
          %parallel_loop3A_777 = arith.sitofp %parallel_loop3A_775 : vector<16xi32> to vector<16xf32>
          %parallel_loop3A_778 = arith.mulf %parallel_loop3A_777, %gather3A_682 : vector<16xf32>
          %parallel_loop3A_779 = arith.addf %parallel_loop3A_769, %parallel_loop3A_778 : vector<16xf32>
          %parallel_loop3A_780 = arith.constant 16 : i32
          %parallel_loop3A_781 = arith.muli %parallel_loop3A_691, %parallel_loop3A_780 : i32
          %parallel_loop3A_782 = arith.index_cast %parallel_loop3A_781 : i32 to index
          %parallel_loop3A_783 = tpu.vector_load %arg8[%parallel_loop3A_782] {strides = array<i32>} : memref<512xf32, #tpu.memory_space<vmem>>, vector<16xf32>,
          tpu.vector_store %arg8[%parallel_loop3A_782], %parallel_loop3A_779 {strides = array<i32>} : memref<512xf32, #tpu.memory_space<vmem>>, vector<16xf32>,
          %parallel_loop3A_784 = arith.constant 16 : i32
          %parallel_loop3A_785 = arith.muli %parallel_loop3A_691, %parallel_loop3A_784 : i32
          %parallel_loop3A_786 = arith.index_cast %parallel_loop3A_785 : i32 to index
          %parallel_loop3A_787 = tpu.vector_load %arg9[%parallel_loop3A_786] {strides = array<i32>} : memref<512xi32, #tpu.memory_space<vmem>>, vector<16xi32>,
          tpu.vector_store %arg9[%parallel_loop3A_786], %parallel_loop3A_776 {strides = array<i32>} : memref<512xi32, #tpu.memory_space<vmem>>, vector<16xi32>,
        } {sc.loop_unroll_factor = 2 : i64, sc.parallel_access}
        %add3A_685 = arith.constant 2 : i32
        %add3A_686 = arith.addi %add3A_632, %add3A_685 : i32
        %lt3A_687 = arith.cmpi slt, %add3A_686, %select_n3A : i32
        %convert_element_type3A_688 = arith.extui %lt3A_687 : i1 to i32
        %cond3A_689 = arith.constant 0 : i32
        %cond3A_690 = arith.cmpi ne, %convert_element_type3A_688, %cond3A_689 : i32
        scf.if %cond3A_690 {
          %add3A_691 = arith.constant 2 : i32
          %add3A_692 = arith.addi %add3A_632, %add3A_691 : i32
          %mul3A_693 = arith.constant 16 : i32
          %mul3A_694 = arith.muli %add3A_692, %mul3A_693 : i32
          %add3A_695 = arith.addi %arg1, %mul3A_694 : i32
          %mul3A_696 = arith.constant 8 : i32
          %mul3A_697 = arith.muli %add3A_695, %mul3A_696 : i32
          %dma_start3A_698 = tpu.memref_slice %arg2[%mul3A_697, %mul3A_0] : memref<1000x4096xi32, #tpu.memory_space<hbm>> -> memref<8x512xi32, #tpu.memory_space<hbm>>
          %dma_start3A_699 = tpu.memref_slice %arg2[%mul3A_697, %mul3A_0] : memref<1000x4096xi32, #tpu.memory_space<hbm>> -> memref<8x512xi32, #tpu.memory_space<hbm>>
          tpu.enqueue_dma source(%dma_start3A_699 : memref<8x512xi32, #tpu.memory_space<hbm>>) target(%arg6 : memref<8x512xi32, #tpu.memory_space<vmem>>) target_semaphore(%arg15 : memref<!tpu.dma_semaphore, #tpu.memory_space<semaphore_mem>>)
        } else {
        }
      } else {
      }
      %mul3A_636 = arith.constant 2 : i32
      %mul3A_637 = arith.muli %scan3A_628, %mul3A_636 : i32
      %add3A_638 = arith.constant 1 : i32
      %add3A_639 = arith.addi %mul3A_637, %add3A_638 : i32
      %lt3A_640 = arith.cmpi slt, %add3A_639, %select_n3A : i32
      %convert_element_type3A_641 = arith.extui %lt3A_640 : i1 to i32
      %cond3A_642 = arith.constant 0 : i32
      %cond3A_643 = arith.cmpi ne, %convert_element_type3A_641, %cond3A_642 : i32
      scf.if %cond3A_643 {
        %dma_wait3A = arith.constant 0 : i32
        %dma_wait3A_644 = tpu.memref_slice %arg2[%dma_wait3A, %mul3A_0] : memref<1000x4096xi32, #tpu.memory_space<hbm>> -> memref<8x512xi32, #tpu.memory_space<hbm>>
        %dma_wait3A_645 = arith.constant 0 : i32
        %dma_wait3A_646 = tpu.memref_slice %arg2[%dma_wait3A_645, %mul3A_0] : memref<1000x4096xi32, #tpu.memory_space<hbm>> -> memref<8x512xi32, #tpu.memory_space<hbm>>
        tpu.wait_dma2 semaphore(%arg16 : memref<!tpu.dma_semaphore, #tpu.memory_space<semaphore_mem>>) src(%dma_wait3A_646 : memref<8x512xi32, #tpu.memory_space<hbm>>) dst(%arg7 : memref<8x512xi32, #tpu.memory_space<vmem>>)
        %mul3A_647 = arith.constant 16 : i32
        %mul3A_648 = arith.muli %add3A_639, %mul3A_647 : i32
        %add3A_649 = arith.addi %arg1, %mul3A_648 : i32
        %mul3A_650 = arith.constant 8 : i32
        %mul3A_651 = arith.muli %add3A_649, %mul3A_650 : i32
        %add3A_652 = arith.constant 0 : i32
        %add3A_653 = arith.addi %mul3A_651, %add3A_652 : i32
        %broadcast_in_dim3A_654 = vector.broadcast %add3A_653 : i32 to vector<16xi32>
        %gather3A = tpu.vector_load_idx %arg5[%broadcast_in_dim3A_654] : memref<1000xf32, #tpu.memory_space<vmem>>[vector<16xi32>], vector<16xf32>,
        %add3A_655 = arith.constant 1 : i32
        %add3A_656 = arith.addi %mul3A_651, %add3A_655 : i32
        %broadcast_in_dim3A_657 = vector.broadcast %add3A_656 : i32 to vector<16xi32>
        %gather3A_658 = tpu.vector_load_idx %arg5[%broadcast_in_dim3A_657] : memref<1000xf32, #tpu.memory_space<vmem>>[vector<16xi32>], vector<16xf32>,
        %add3A_659 = arith.constant 2 : i32
        %add3A_660 = arith.addi %mul3A_651, %add3A_659 : i32
        %broadcast_in_dim3A_661 = vector.broadcast %add3A_660 : i32 to vector<16xi32>
        %gather3A_662 = tpu.vector_load_idx %arg5[%broadcast_in_dim3A_661] : memref<1000xf32, #tpu.memory_space<vmem>>[vector<16xi32>], vector<16xf32>,
        %add3A_663 = arith.constant 3 : i32
        %add3A_664 = arith.addi %mul3A_651, %add3A_663 : i32
        %broadcast_in_dim3A_665 = vector.broadcast %add3A_664 : i32 to vector<16xi32>
        %gather3A_666 = tpu.vector_load_idx %arg5[%broadcast_in_dim3A_665] : memref<1000xf32, #tpu.memory_space<vmem>>[vector<16xi32>], vector<16xf32>,
        %add3A_667 = arith.constant 4 : i32
        %add3A_668 = arith.addi %mul3A_651, %add3A_667 : i32
        %broadcast_in_dim3A_669 = vector.broadcast %add3A_668 : i32 to vector<16xi32>
        %gather3A_670 = tpu.vector_load_idx %arg5[%broadcast_in_dim3A_669] : memref<1000xf32, #tpu.memory_space<vmem>>[vector<16xi32>], vector<16xf32>,
        %add3A_671 = arith.constant 5 : i32
        %add3A_672 = arith.addi %mul3A_651, %add3A_671 : i32
        %broadcast_in_dim3A_673 = vector.broadcast %add3A_672 : i32 to vector<16xi32>
        %gather3A_674 = tpu.vector_load_idx %arg5[%broadcast_in_dim3A_673] : memref<1000xf32, #tpu.memory_space<vmem>>[vector<16xi32>], vector<16xf32>,
        %add3A_675 = arith.constant 6 : i32
        %add3A_676 = arith.addi %mul3A_651, %add3A_675 : i32
        %broadcast_in_dim3A_677 = vector.broadcast %add3A_676 : i32 to vector<16xi32>
        %gather3A_678 = tpu.vector_load_idx %arg5[%broadcast_in_dim3A_677] : memref<1000xf32, #tpu.memory_space<vmem>>[vector<16xi32>], vector<16xf32>,
        %add3A_679 = arith.constant 7 : i32
        %add3A_680 = arith.addi %mul3A_651, %add3A_679 : i32
        %broadcast_in_dim3A_681 = vector.broadcast %add3A_680 : i32 to vector<16xi32>
        %gather3A_682 = tpu.vector_load_idx %arg5[%broadcast_in_dim3A_681] : memref<1000xf32, #tpu.memory_space<vmem>>[vector<16xi32>], vector<16xf32>,
        %parallel_loop3A = arith.constant 0 : i32
        %parallel_loop3A_683 = arith.constant 32 : i32
        %parallel_loop3A_684 = arith.constant 1 : i32
        scf.for %parallel_loop3A_691 = %parallel_loop3A to %parallel_loop3A_683 step %parallel_loop3A_684  : i32 {
          %parallel_loop3A_692 = arith.constant 16 : i32
          %parallel_loop3A_693 = arith.muli %parallel_loop3A_691, %parallel_loop3A_692 : i32
          %parallel_loop3A_694 = arith.index_cast %parallel_loop3A_693 : i32 to index
          %parallel_loop3A_695 = tpu.vector_load %arg8[%parallel_loop3A_694] {strides = array<i32>} : memref<512xf32, #tpu.memory_space<vmem>>, vector<16xf32>,
          %parallel_loop3A_696 = arith.constant 16 : i32
          %parallel_loop3A_697 = arith.muli %parallel_loop3A_691, %parallel_loop3A_696 : i32
          %parallel_loop3A_698 = arith.index_cast %parallel_loop3A_697 : i32 to index
          %parallel_loop3A_699 = tpu.vector_load %arg9[%parallel_loop3A_698] {strides = array<i32>} : memref<512xi32, #tpu.memory_space<vmem>>, vector<16xi32>,
          %parallel_loop3A_700 = arith.constant 16 : i32
          %parallel_loop3A_701 = arith.muli %parallel_loop3A_691, %parallel_loop3A_700 : i32
          %parallel_loop3A_702 = arith.constant 0 : i32
          %parallel_loop3A_703 = arith.index_cast %parallel_loop3A_702 : i32 to index
          %parallel_loop3A_704 = arith.index_cast %parallel_loop3A_701 : i32 to index
          %parallel_loop3A_705 = tpu.vector_load %arg7[%parallel_loop3A_703, %parallel_loop3A_704] {strides = array<i32>} : memref<8x512xi32, #tpu.memory_space<vmem>>, vector<16xi32>,
          %parallel_loop3A_706 = arith.addi %parallel_loop3A_699, %parallel_loop3A_705 : vector<16xi32>
          %parallel_loop3A_707 = arith.sitofp %parallel_loop3A_705 : vector<16xi32> to vector<16xf32>
          %parallel_loop3A_708 = arith.mulf %parallel_loop3A_707, %gather3A : vector<16xf32>
          %parallel_loop3A_709 = arith.addf %parallel_loop3A_695, %parallel_loop3A_708 : vector<16xf32>
          %parallel_loop3A_710 = arith.constant 16 : i32
          %parallel_loop3A_711 = arith.muli %parallel_loop3A_691, %parallel_loop3A_710 : i32
          %parallel_loop3A_712 = arith.constant 1 : i32
          %parallel_loop3A_713 = arith.index_cast %parallel_loop3A_712 : i32 to index
          %parallel_loop3A_714 = arith.index_cast %parallel_loop3A_711 : i32 to index
          %parallel_loop3A_715 = tpu.vector_load %arg7[%parallel_loop3A_713, %parallel_loop3A_714] {strides = array<i32>} : memref<8x512xi32, #tpu.memory_space<vmem>>, vector<16xi32>,
          %parallel_loop3A_716 = arith.addi %parallel_loop3A_706, %parallel_loop3A_715 : vector<16xi32>
          %parallel_loop3A_717 = arith.sitofp %parallel_loop3A_715 : vector<16xi32> to vector<16xf32>
          %parallel_loop3A_718 = arith.mulf %parallel_loop3A_717, %gather3A_658 : vector<16xf32>
          %parallel_loop3A_719 = arith.addf %parallel_loop3A_709, %parallel_loop3A_718 : vector<16xf32>
          %parallel_loop3A_720 = arith.constant 16 : i32
          %parallel_loop3A_721 = arith.muli %parallel_loop3A_691, %parallel_loop3A_720 : i32
          %parallel_loop3A_722 = arith.constant 2 : i32
          %parallel_loop3A_723 = arith.index_cast %parallel_loop3A_722 : i32 to index
          %parallel_loop3A_724 = arith.index_cast %parallel_loop3A_721 : i32 to index
          %parallel_loop3A_725 = tpu.vector_load %arg7[%parallel_loop3A_723, %parallel_loop3A_724] {strides = array<i32>} : memref<8x512xi32, #tpu.memory_space<vmem>>, vector<16xi32>,
          %parallel_loop3A_726 = arith.addi %parallel_loop3A_716, %parallel_loop3A_725 : vector<16xi32>
          %parallel_loop3A_727 = arith.sitofp %parallel_loop3A_725 : vector<16xi32> to vector<16xf32>
          %parallel_loop3A_728 = arith.mulf %parallel_loop3A_727, %gather3A_662 : vector<16xf32>
          %parallel_loop3A_729 = arith.addf %parallel_loop3A_719, %parallel_loop3A_728 : vector<16xf32>
          %parallel_loop3A_730 = arith.constant 16 : i32
          %parallel_loop3A_731 = arith.muli %parallel_loop3A_691, %parallel_loop3A_730 : i32
          %parallel_loop3A_732 = arith.constant 3 : i32
          %parallel_loop3A_733 = arith.index_cast %parallel_loop3A_732 : i32 to index
          %parallel_loop3A_734 = arith.index_cast %parallel_loop3A_731 : i32 to index
          %parallel_loop3A_735 = tpu.vector_load %arg7[%parallel_loop3A_733, %parallel_loop3A_734] {strides = array<i32>} : memref<8x512xi32, #tpu.memory_space<vmem>>, vector<16xi32>,
          %parallel_loop3A_736 = arith.addi %parallel_loop3A_726, %parallel_loop3A_735 : vector<16xi32>
          %parallel_loop3A_737 = arith.sitofp %parallel_loop3A_735 : vector<16xi32> to vector<16xf32>
          %parallel_loop3A_738 = arith.mulf %parallel_loop3A_737, %gather3A_666 : vector<16xf32>
          %parallel_loop3A_739 = arith.addf %parallel_loop3A_729, %parallel_loop3A_738 : vector<16xf32>
          %parallel_loop3A_740 = arith.constant 16 : i32
          %parallel_loop3A_741 = arith.muli %parallel_loop3A_691, %parallel_loop3A_740 : i32
          %parallel_loop3A_742 = arith.constant 4 : i32
          %parallel_loop3A_743 = arith.index_cast %parallel_loop3A_742 : i32 to index
          %parallel_loop3A_744 = arith.index_cast %parallel_loop3A_741 : i32 to index
          %parallel_loop3A_745 = tpu.vector_load %arg7[%parallel_loop3A_743, %parallel_loop3A_744] {strides = array<i32>} : memref<8x512xi32, #tpu.memory_space<vmem>>, vector<16xi32>,
          %parallel_loop3A_746 = arith.addi %parallel_loop3A_736, %parallel_loop3A_745 : vector<16xi32>
          %parallel_loop3A_747 = arith.sitofp %parallel_loop3A_745 : vector<16xi32> to vector<16xf32>
          %parallel_loop3A_748 = arith.mulf %parallel_loop3A_747, %gather3A_670 : vector<16xf32>
          %parallel_loop3A_749 = arith.addf %parallel_loop3A_739, %parallel_loop3A_748 : vector<16xf32>
          %parallel_loop3A_750 = arith.constant 16 : i32
          %parallel_loop3A_751 = arith.muli %parallel_loop3A_691, %parallel_loop3A_750 : i32
          %parallel_loop3A_752 = arith.constant 5 : i32
          %parallel_loop3A_753 = arith.index_cast %parallel_loop3A_752 : i32 to index
          %parallel_loop3A_754 = arith.index_cast %parallel_loop3A_751 : i32 to index
          %parallel_loop3A_755 = tpu.vector_load %arg7[%parallel_loop3A_753, %parallel_loop3A_754] {strides = array<i32>} : memref<8x512xi32, #tpu.memory_space<vmem>>, vector<16xi32>,
          %parallel_loop3A_756 = arith.addi %parallel_loop3A_746, %parallel_loop3A_755 : vector<16xi32>
          %parallel_loop3A_757 = arith.sitofp %parallel_loop3A_755 : vector<16xi32> to vector<16xf32>
          %parallel_loop3A_758 = arith.mulf %parallel_loop3A_757, %gather3A_674 : vector<16xf32>
          %parallel_loop3A_759 = arith.addf %parallel_loop3A_749, %parallel_loop3A_758 : vector<16xf32>
          %parallel_loop3A_760 = arith.constant 16 : i32
          %parallel_loop3A_761 = arith.muli %parallel_loop3A_691, %parallel_loop3A_760 : i32
          %parallel_loop3A_762 = arith.constant 6 : i32
          %parallel_loop3A_763 = arith.index_cast %parallel_loop3A_762 : i32 to index
          %parallel_loop3A_764 = arith.index_cast %parallel_loop3A_761 : i32 to index
          %parallel_loop3A_765 = tpu.vector_load %arg7[%parallel_loop3A_763, %parallel_loop3A_764] {strides = array<i32>} : memref<8x512xi32, #tpu.memory_space<vmem>>, vector<16xi32>,
          %parallel_loop3A_766 = arith.addi %parallel_loop3A_756, %parallel_loop3A_765 : vector<16xi32>
          %parallel_loop3A_767 = arith.sitofp %parallel_loop3A_765 : vector<16xi32> to vector<16xf32>
          %parallel_loop3A_768 = arith.mulf %parallel_loop3A_767, %gather3A_678 : vector<16xf32>
          %parallel_loop3A_769 = arith.addf %parallel_loop3A_759, %parallel_loop3A_768 : vector<16xf32>
          %parallel_loop3A_770 = arith.constant 16 : i32
          %parallel_loop3A_771 = arith.muli %parallel_loop3A_691, %parallel_loop3A_770 : i32
          %parallel_loop3A_772 = arith.constant 7 : i32
          %parallel_loop3A_773 = arith.index_cast %parallel_loop3A_772 : i32 to index
          %parallel_loop3A_774 = arith.index_cast %parallel_loop3A_771 : i32 to index
          %parallel_loop3A_775 = tpu.vector_load %arg7[%parallel_loop3A_773, %parallel_loop3A_774] {strides = array<i32>} : memref<8x512xi32, #tpu.memory_space<vmem>>, vector<16xi32>,
          %parallel_loop3A_776 = arith.addi %parallel_loop3A_766, %parallel_loop3A_775 : vector<16xi32>
          %parallel_loop3A_777 = arith.sitofp %parallel_loop3A_775 : vector<16xi32> to vector<16xf32>
          %parallel_loop3A_778 = arith.mulf %parallel_loop3A_777, %gather3A_682 : vector<16xf32>
          %parallel_loop3A_779 = arith.addf %parallel_loop3A_769, %parallel_loop3A_778 : vector<16xf32>
          %parallel_loop3A_780 = arith.constant 16 : i32
          %parallel_loop3A_781 = arith.muli %parallel_loop3A_691, %parallel_loop3A_780 : i32
          %parallel_loop3A_782 = arith.index_cast %parallel_loop3A_781 : i32 to index
          %parallel_loop3A_783 = tpu.vector_load %arg8[%parallel_loop3A_782] {strides = array<i32>} : memref<512xf32, #tpu.memory_space<vmem>>, vector<16xf32>,
          tpu.vector_store %arg8[%parallel_loop3A_782], %parallel_loop3A_779 {strides = array<i32>} : memref<512xf32, #tpu.memory_space<vmem>>, vector<16xf32>,
          %parallel_loop3A_784 = arith.constant 16 : i32
          %parallel_loop3A_785 = arith.muli %parallel_loop3A_691, %parallel_loop3A_784 : i32
          %parallel_loop3A_786 = arith.index_cast %parallel_loop3A_785 : i32 to index
          %parallel_loop3A_787 = tpu.vector_load %arg9[%parallel_loop3A_786] {strides = array<i32>} : memref<512xi32, #tpu.memory_space<vmem>>, vector<16xi32>,
          tpu.vector_store %arg9[%parallel_loop3A_786], %parallel_loop3A_776 {strides = array<i32>} : memref<512xi32, #tpu.memory_space<vmem>>, vector<16xi32>,
        } {sc.loop_unroll_factor = 2 : i64, sc.parallel_access}
        %add3A_685 = arith.constant 2 : i32
        %add3A_686 = arith.addi %add3A_639, %add3A_685 : i32
        %lt3A_687 = arith.cmpi slt, %add3A_686, %select_n3A : i32
        %convert_element_type3A_688 = arith.extui %lt3A_687 : i1 to i32
        %cond3A_689 = arith.constant 0 : i32
        %cond3A_690 = arith.cmpi ne, %convert_element_type3A_688, %cond3A_689 : i32
        scf.if %cond3A_690 {
          %add3A_691 = arith.constant 2 : i32
          %add3A_692 = arith.addi %add3A_639, %add3A_691 : i32
          %mul3A_693 = arith.constant 16 : i32
          %mul3A_694 = arith.muli %add3A_692, %mul3A_693 : i32
          %add3A_695 = arith.addi %arg1, %mul3A_694 : i32
          %mul3A_696 = arith.constant 8 : i32
          %mul3A_697 = arith.muli %add3A_695, %mul3A_696 : i32
          %dma_start3A_698 = tpu.memref_slice %arg2[%mul3A_697, %mul3A_0] : memref<1000x4096xi32, #tpu.memory_space<hbm>> -> memref<8x512xi32, #tpu.memory_space<hbm>>
          %dma_start3A_699 = tpu.memref_slice %arg2[%mul3A_697, %mul3A_0] : memref<1000x4096xi32, #tpu.memory_space<hbm>> -> memref<8x512xi32, #tpu.memory_space<hbm>>
          tpu.enqueue_dma source(%dma_start3A_699 : memref<8x512xi32, #tpu.memory_space<hbm>>) target(%arg7 : memref<8x512xi32, #tpu.memory_space<vmem>>) target_semaphore(%arg16 : memref<!tpu.dma_semaphore, #tpu.memory_space<semaphore_mem>>)
        } else {
        }
      } else {
      }
    }
    %scan3A_28 = arith.constant 4 : i32
    "tpu.region"() ({
      %run_scoped3A = tpu.sem_alloc : memref<!tpu.dma_semaphore, #tpu.memory_space<semaphore_mem>>
      %dma_start3A_628 = arith.constant 0 : i32
      %dma_start3A_629 = tpu.memref_slice %arg13[%arg1, %dma_start3A_628] : memref<16x512xf32, #tpu.memory_space<vmem_shared>> -> memref<1x512xf32, #tpu.memory_space<vmem_shared>>
      %dma_start3A_630 = tpu.memref_squeeze %dma_start3A_629 : memref<1x512xf32, #tpu.memory_space<vmem_shared>> -> memref<512xf32, #tpu.memory_space<vmem_shared>>
      %dma_start3A_631 = arith.constant 0 : i32
      %dma_start3A_632 = tpu.memref_slice %arg13[%arg1, %dma_start3A_631] : memref<16x512xf32, #tpu.memory_space<vmem_shared>> -> memref<1x512xf32, #tpu.memory_space<vmem_shared>>
      %dma_start3A_633 = tpu.memref_squeeze %dma_start3A_632 : memref<1x512xf32, #tpu.memory_space<vmem_shared>> -> memref<512xf32, #tpu.memory_space<vmem_shared>>
      tpu.enqueue_dma source(%arg8 : memref<512xf32, #tpu.memory_space<vmem>>) target(%dma_start3A_633 : memref<512xf32, #tpu.memory_space<vmem_shared>>) target_semaphore(%run_scoped3A : memref<!tpu.dma_semaphore, #tpu.memory_space<semaphore_mem>>)
      %dma_wait3A = arith.constant 0 : i32
      %dma_wait3A_634 = tpu.memref_slice %arg13[%arg1, %dma_wait3A] : memref<16x512xf32, #tpu.memory_space<vmem_shared>> -> memref<1x512xf32, #tpu.memory_space<vmem_shared>>
      %dma_wait3A_635 = tpu.memref_squeeze %dma_wait3A_634 : memref<1x512xf32, #tpu.memory_space<vmem_shared>> -> memref<512xf32, #tpu.memory_space<vmem_shared>>
      %dma_wait3A_636 = arith.constant 0 : i32
      %dma_wait3A_637 = tpu.memref_slice %arg13[%arg1, %dma_wait3A_636] : memref<16x512xf32, #tpu.memory_space<vmem_shared>> -> memref<1x512xf32, #tpu.memory_space<vmem_shared>>
      %dma_wait3A_638 = tpu.memref_squeeze %dma_wait3A_637 : memref<1x512xf32, #tpu.memory_space<vmem_shared>> -> memref<512xf32, #tpu.memory_space<vmem_shared>>
      tpu.wait_dma2 semaphore(%run_scoped3A : memref<!tpu.dma_semaphore, #tpu.memory_space<semaphore_mem>>) src(%arg8 : memref<512xf32, #tpu.memory_space<vmem>>) dst(%dma_wait3A_638 : memref<512xf32, #tpu.memory_space<vmem_shared>>)
      tpu.yield
    }) : () -> ()
    "tpu.region"() ({
      %run_scoped3A = tpu.sem_alloc : memref<!tpu.dma_semaphore, #tpu.memory_space<semaphore_mem>>
      %dma_start3A_628 = arith.constant 0 : i32
      %dma_start3A_629 = tpu.memref_slice %arg14[%arg1, %dma_start3A_628] : memref<16x512xi32, #tpu.memory_space<vmem_shared>> -> memref<1x512xi32, #tpu.memory_space<vmem_shared>>
      %dma_start3A_630 = tpu.memref_squeeze %dma_start3A_629 : memref<1x512xi32, #tpu.memory_space<vmem_shared>> -> memref<512xi32, #tpu.memory_space<vmem_shared>>
      %dma_start3A_631 = arith.constant 0 : i32
      %dma_start3A_632 = tpu.memref_slice %arg14[%arg1, %dma_start3A_631] : memref<16x512xi32, #tpu.memory_space<vmem_shared>> -> memref<1x512xi32, #tpu.memory_space<vmem_shared>>
      %dma_start3A_633 = tpu.memref_squeeze %dma_start3A_632 : memref<1x512xi32, #tpu.memory_space<vmem_shared>> -> memref<512xi32, #tpu.memory_space<vmem_shared>>
      tpu.enqueue_dma source(%arg9 : memref<512xi32, #tpu.memory_space<vmem>>) target(%dma_start3A_633 : memref<512xi32, #tpu.memory_space<vmem_shared>>) target_semaphore(%run_scoped3A : memref<!tpu.dma_semaphore, #tpu.memory_space<semaphore_mem>>)
      %dma_wait3A = arith.constant 0 : i32
      %dma_wait3A_634 = tpu.memref_slice %arg14[%arg1, %dma_wait3A] : memref<16x512xi32, #tpu.memory_space<vmem_shared>> -> memref<1x512xi32, #tpu.memory_space<vmem_shared>>
      %dma_wait3A_635 = tpu.memref_squeeze %dma_wait3A_634 : memref<1x512xi32, #tpu.memory_space<vmem_shared>> -> memref<512xi32, #tpu.memory_space<vmem_shared>>
      %dma_wait3A_636 = arith.constant 0 : i32
      %dma_wait3A_637 = tpu.memref_slice %arg14[%arg1, %dma_wait3A_636] : memref<16x512xi32, #tpu.memory_space<vmem_shared>> -> memref<1x512xi32, #tpu.memory_space<vmem_shared>>
      %dma_wait3A_638 = tpu.memref_squeeze %dma_wait3A_637 : memref<1x512xi32, #tpu.memory_space<vmem_shared>> -> memref<512xi32, #tpu.memory_space<vmem_shared>>
      tpu.wait_dma2 semaphore(%run_scoped3A : memref<!tpu.dma_semaphore, #tpu.memory_space<semaphore_mem>>) src(%arg9 : memref<512xi32, #tpu.memory_space<vmem>>) dst(%dma_wait3A_638 : memref<512xi32, #tpu.memory_space<vmem_shared>>)
      tpu.yield
    }) : () -> ()
    %barrier3A = arith.constant 0 : index
    tpu.barrier barrier_id(%barrier3A)
    "tpu.region"() ({
      %run_scoped3A = tpu.sem_alloc : memref<!tpu.dma_semaphore, #tpu.memory_space<semaphore_mem>>
      tpu.enqueue_dma source(%arg13 : memref<16x512xf32, #tpu.memory_space<vmem_shared>>) target(%arg11 : memref<16x512xf32, #tpu.memory_space<vmem>>) target_semaphore(%run_scoped3A : memref<!tpu.dma_semaphore, #tpu.memory_space<semaphore_mem>>)
      tpu.wait_dma2 semaphore(%run_scoped3A : memref<!tpu.dma_semaphore, #tpu.memory_space<semaphore_mem>>) src(%arg13 : memref<16x512xf32, #tpu.memory_space<vmem_shared>>) dst(%arg11 : memref<16x512xf32, #tpu.memory_space<vmem>>)
      tpu.yield
    }) : () -> ()
    "tpu.region"() ({
      %run_scoped3A = tpu.sem_alloc : memref<!tpu.dma_semaphore, #tpu.memory_space<semaphore_mem>>
      tpu.enqueue_dma source(%arg14 : memref<16x512xi32, #tpu.memory_space<vmem_shared>>) target(%arg12 : memref<16x512xi32, #tpu.memory_space<vmem>>) target_semaphore(%run_scoped3A : memref<!tpu.dma_semaphore, #tpu.memory_space<semaphore_mem>>)
      tpu.wait_dma2 semaphore(%run_scoped3A : memref<!tpu.dma_semaphore, #tpu.memory_space<semaphore_mem>>) src(%arg14 : memref<16x512xi32, #tpu.memory_space<vmem_shared>>) dst(%arg12 : memref<16x512xi32, #tpu.memory_space<vmem>>)
      tpu.yield
    }) : () -> ()
    %mul3A_29 = arith.constant 32 : i32
    %mul3A_30 = arith.muli %arg1, %mul3A_29 : i32
    %add3A_31 = arith.constant 0 : i32
    %add3A_32 = arith.addi %mul3A_30, %add3A_31 : i32
    %get3A = arith.constant 0 : i32
    %get3A_33 = arith.index_cast %get3A : i32 to index
    %get3A_34 = arith.index_cast %add3A_32 : i32 to index
    %get3A_35 = tpu.vector_load %arg11[%get3A_33, %get3A_34] {strides = array<i32>} : memref<16x512xf32, #tpu.memory_space<vmem>>, vector<16xf32>,
    %add3A_36 = arith.addf %broadcast_in_dim3A_3, %get3A_35 : vector<16xf32>
    %mul3A_37 = arith.constant 32 : i32
    %mul3A_38 = arith.muli %arg1, %mul3A_37 : i32
    %add3A_39 = arith.constant 0 : i32
    %add3A_40 = arith.addi %mul3A_38, %add3A_39 : i32
    %get3A_41 = arith.constant 0 : i32
    %get3A_42 = arith.index_cast %get3A_41 : i32 to index
    %get3A_43 = arith.index_cast %add3A_40 : i32 to index
    %get3A_44 = tpu.vector_load %arg12[%get3A_42, %get3A_43] {strides = array<i32>} : memref<16x512xi32, #tpu.memory_space<vmem>>, vector<16xi32>,
    %add3A_45 = arith.addi %broadcast_in_dim3A_5, %get3A_44 : vector<16xi32>
    %mul3A_46 = arith.constant 32 : i32
    %mul3A_47 = arith.muli %arg1, %mul3A_46 : i32
    %add3A_48 = arith.constant 0 : i32
    %add3A_49 = arith.addi %mul3A_47, %add3A_48 : i32
    %get3A_50 = arith.constant 1 : i32
    %get3A_51 = arith.index_cast %get3A_50 : i32 to index
    %get3A_52 = arith.index_cast %add3A_49 : i32 to index
    %get3A_53 = tpu.vector_load %arg11[%get3A_51, %get3A_52] {strides = array<i32>} : memref<16x512xf32, #tpu.memory_space<vmem>>, vector<16xf32>,
    %add3A_54 = arith.addf %add3A_36, %get3A_53 : vector<16xf32>
    %mul3A_55 = arith.constant 32 : i32
    %mul3A_56 = arith.muli %arg1, %mul3A_55 : i32
    %add3A_57 = arith.constant 0 : i32
    %add3A_58 = arith.addi %mul3A_56, %add3A_57 : i32
    %get3A_59 = arith.constant 1 : i32
    %get3A_60 = arith.index_cast %get3A_59 : i32 to index
    %get3A_61 = arith.index_cast %add3A_58 : i32 to index
    %get3A_62 = tpu.vector_load %arg12[%get3A_60, %get3A_61] {strides = array<i32>} : memref<16x512xi32, #tpu.memory_space<vmem>>, vector<16xi32>,
    %add3A_63 = arith.addi %add3A_45, %get3A_62 : vector<16xi32>
    %mul3A_64 = arith.constant 32 : i32
    %mul3A_65 = arith.muli %arg1, %mul3A_64 : i32
    %add3A_66 = arith.constant 0 : i32
    %add3A_67 = arith.addi %mul3A_65, %add3A_66 : i32
    %get3A_68 = arith.constant 2 : i32
    %get3A_69 = arith.index_cast %get3A_68 : i32 to index
    %get3A_70 = arith.index_cast %add3A_67 : i32 to index
    %get3A_71 = tpu.vector_load %arg11[%get3A_69, %get3A_70] {strides = array<i32>} : memref<16x512xf32, #tpu.memory_space<vmem>>, vector<16xf32>,
    %add3A_72 = arith.addf %add3A_54, %get3A_71 : vector<16xf32>
    %mul3A_73 = arith.constant 32 : i32
    %mul3A_74 = arith.muli %arg1, %mul3A_73 : i32
    %add3A_75 = arith.constant 0 : i32
    %add3A_76 = arith.addi %mul3A_74, %add3A_75 : i32
    %get3A_77 = arith.constant 2 : i32
    %get3A_78 = arith.index_cast %get3A_77 : i32 to index
    %get3A_79 = arith.index_cast %add3A_76 : i32 to index
    %get3A_80 = tpu.vector_load %arg12[%get3A_78, %get3A_79] {strides = array<i32>} : memref<16x512xi32, #tpu.memory_space<vmem>>, vector<16xi32>,
    %add3A_81 = arith.addi %add3A_63, %get3A_80 : vector<16xi32>
    %mul3A_82 = arith.constant 32 : i32
    %mul3A_83 = arith.muli %arg1, %mul3A_82 : i32
    %add3A_84 = arith.constant 0 : i32
    %add3A_85 = arith.addi %mul3A_83, %add3A_84 : i32
    %get3A_86 = arith.constant 3 : i32
    %get3A_87 = arith.index_cast %get3A_86 : i32 to index
    %get3A_88 = arith.index_cast %add3A_85 : i32 to index
    %get3A_89 = tpu.vector_load %arg11[%get3A_87, %get3A_88] {strides = array<i32>} : memref<16x512xf32, #tpu.memory_space<vmem>>, vector<16xf32>,
    %add3A_90 = arith.addf %add3A_72, %get3A_89 : vector<16xf32>
    %mul3A_91 = arith.constant 32 : i32
    %mul3A_92 = arith.muli %arg1, %mul3A_91 : i32
    %add3A_93 = arith.constant 0 : i32
    %add3A_94 = arith.addi %mul3A_92, %add3A_93 : i32
    %get3A_95 = arith.constant 3 : i32
    %get3A_96 = arith.index_cast %get3A_95 : i32 to index
    %get3A_97 = arith.index_cast %add3A_94 : i32 to index
    %get3A_98 = tpu.vector_load %arg12[%get3A_96, %get3A_97] {strides = array<i32>} : memref<16x512xi32, #tpu.memory_space<vmem>>, vector<16xi32>,
    %add3A_99 = arith.addi %add3A_81, %get3A_98 : vector<16xi32>
    %mul3A_100 = arith.constant 32 : i32
    %mul3A_101 = arith.muli %arg1, %mul3A_100 : i32
    %add3A_102 = arith.constant 0 : i32
    %add3A_103 = arith.addi %mul3A_101, %add3A_102 : i32
    %get3A_104 = arith.constant 4 : i32
    %get3A_105 = arith.index_cast %get3A_104 : i32 to index
    %get3A_106 = arith.index_cast %add3A_103 : i32 to index
    %get3A_107 = tpu.vector_load %arg11[%get3A_105, %get3A_106] {strides = array<i32>} : memref<16x512xf32, #tpu.memory_space<vmem>>, vector<16xf32>,
    %add3A_108 = arith.addf %add3A_90, %get3A_107 : vector<16xf32>
    %mul3A_109 = arith.constant 32 : i32
    %mul3A_110 = arith.muli %arg1, %mul3A_109 : i32
    %add3A_111 = arith.constant 0 : i32
    %add3A_112 = arith.addi %mul3A_110, %add3A_111 : i32
    %get3A_113 = arith.constant 4 : i32
    %get3A_114 = arith.index_cast %get3A_113 : i32 to index
    %get3A_115 = arith.index_cast %add3A_112 : i32 to index
    %get3A_116 = tpu.vector_load %arg12[%get3A_114, %get3A_115] {strides = array<i32>} : memref<16x512xi32, #tpu.memory_space<vmem>>, vector<16xi32>,
    %add3A_117 = arith.addi %add3A_99, %get3A_116 : vector<16xi32>
    %mul3A_118 = arith.constant 32 : i32
    %mul3A_119 = arith.muli %arg1, %mul3A_118 : i32
    %add3A_120 = arith.constant 0 : i32
    %add3A_121 = arith.addi %mul3A_119, %add3A_120 : i32
    %get3A_122 = arith.constant 5 : i32
    %get3A_123 = arith.index_cast %get3A_122 : i32 to index
    %get3A_124 = arith.index_cast %add3A_121 : i32 to index
    %get3A_125 = tpu.vector_load %arg11[%get3A_123, %get3A_124] {strides = array<i32>} : memref<16x512xf32, #tpu.memory_space<vmem>>, vector<16xf32>,
    %add3A_126 = arith.addf %add3A_108, %get3A_125 : vector<16xf32>
    %mul3A_127 = arith.constant 32 : i32
    %mul3A_128 = arith.muli %arg1, %mul3A_127 : i32
    %add3A_129 = arith.constant 0 : i32
    %add3A_130 = arith.addi %mul3A_128, %add3A_129 : i32
    %get3A_131 = arith.constant 5 : i32
    %get3A_132 = arith.index_cast %get3A_131 : i32 to index
    %get3A_133 = arith.index_cast %add3A_130 : i32 to index
    %get3A_134 = tpu.vector_load %arg12[%get3A_132, %get3A_133] {strides = array<i32>} : memref<16x512xi32, #tpu.memory_space<vmem>>, vector<16xi32>,
    %add3A_135 = arith.addi %add3A_117, %get3A_134 : vector<16xi32>
    %mul3A_136 = arith.constant 32 : i32
    %mul3A_137 = arith.muli %arg1, %mul3A_136 : i32
    %add3A_138 = arith.constant 0 : i32
    %add3A_139 = arith.addi %mul3A_137, %add3A_138 : i32
    %get3A_140 = arith.constant 6 : i32
    %get3A_141 = arith.index_cast %get3A_140 : i32 to index
    %get3A_142 = arith.index_cast %add3A_139 : i32 to index
    %get3A_143 = tpu.vector_load %arg11[%get3A_141, %get3A_142] {strides = array<i32>} : memref<16x512xf32, #tpu.memory_space<vmem>>, vector<16xf32>,
    %add3A_144 = arith.addf %add3A_126, %get3A_143 : vector<16xf32>
    %mul3A_145 = arith.constant 32 : i32
    %mul3A_146 = arith.muli %arg1, %mul3A_145 : i32
    %add3A_147 = arith.constant 0 : i32
    %add3A_148 = arith.addi %mul3A_146, %add3A_147 : i32
    %get3A_149 = arith.constant 6 : i32
    %get3A_150 = arith.index_cast %get3A_149 : i32 to index
    %get3A_151 = arith.index_cast %add3A_148 : i32 to index
    %get3A_152 = tpu.vector_load %arg12[%get3A_150, %get3A_151] {strides = array<i32>} : memref<16x512xi32, #tpu.memory_space<vmem>>, vector<16xi32>,
    %add3A_153 = arith.addi %add3A_135, %get3A_152 : vector<16xi32>
    %mul3A_154 = arith.constant 32 : i32
    %mul3A_155 = arith.muli %arg1, %mul3A_154 : i32
    %add3A_156 = arith.constant 0 : i32
    %add3A_157 = arith.addi %mul3A_155, %add3A_156 : i32
    %get3A_158 = arith.constant 7 : i32
    %get3A_159 = arith.index_cast %get3A_158 : i32 to index
    %get3A_160 = arith.index_cast %add3A_157 : i32 to index
    %get3A_161 = tpu.vector_load %arg11[%get3A_159, %get3A_160] {strides = array<i32>} : memref<16x512xf32, #tpu.memory_space<vmem>>, vector<16xf32>,
    %add3A_162 = arith.addf %add3A_144, %get3A_161 : vector<16xf32>
    %mul3A_163 = arith.constant 32 : i32
    %mul3A_164 = arith.muli %arg1, %mul3A_163 : i32
    %add3A_165 = arith.constant 0 : i32
    %add3A_166 = arith.addi %mul3A_164, %add3A_165 : i32
    %get3A_167 = arith.constant 7 : i32
    %get3A_168 = arith.index_cast %get3A_167 : i32 to index
    %get3A_169 = arith.index_cast %add3A_166 : i32 to index
    %get3A_170 = tpu.vector_load %arg12[%get3A_168, %get3A_169] {strides = array<i32>} : memref<16x512xi32, #tpu.memory_space<vmem>>, vector<16xi32>,
    %add3A_171 = arith.addi %add3A_153, %get3A_170 : vector<16xi32>
    %mul3A_172 = arith.constant 32 : i32
    %mul3A_173 = arith.muli %arg1, %mul3A_172 : i32
    %add3A_174 = arith.constant 0 : i32
    %add3A_175 = arith.addi %mul3A_173, %add3A_174 : i32
    %get3A_176 = arith.constant 8 : i32
    %get3A_177 = arith.index_cast %get3A_176 : i32 to index
    %get3A_178 = arith.index_cast %add3A_175 : i32 to index
    %get3A_179 = tpu.vector_load %arg11[%get3A_177, %get3A_178] {strides = array<i32>} : memref<16x512xf32, #tpu.memory_space<vmem>>, vector<16xf32>,
    %add3A_180 = arith.addf %add3A_162, %get3A_179 : vector<16xf32>
    %mul3A_181 = arith.constant 32 : i32
    %mul3A_182 = arith.muli %arg1, %mul3A_181 : i32
    %add3A_183 = arith.constant 0 : i32
    %add3A_184 = arith.addi %mul3A_182, %add3A_183 : i32
    %get3A_185 = arith.constant 8 : i32
    %get3A_186 = arith.index_cast %get3A_185 : i32 to index
    %get3A_187 = arith.index_cast %add3A_184 : i32 to index
    %get3A_188 = tpu.vector_load %arg12[%get3A_186, %get3A_187] {strides = array<i32>} : memref<16x512xi32, #tpu.memory_space<vmem>>, vector<16xi32>,
    %add3A_189 = arith.addi %add3A_171, %get3A_188 : vector<16xi32>
    %mul3A_190 = arith.constant 32 : i32
    %mul3A_191 = arith.muli %arg1, %mul3A_190 : i32
    %add3A_192 = arith.constant 0 : i32
    %add3A_193 = arith.addi %mul3A_191, %add3A_192 : i32
    %get3A_194 = arith.constant 9 : i32
    %get3A_195 = arith.index_cast %get3A_194 : i32 to index
    %get3A_196 = arith.index_cast %add3A_193 : i32 to index
    %get3A_197 = tpu.vector_load %arg11[%get3A_195, %get3A_196] {strides = array<i32>} : memref<16x512xf32, #tpu.memory_space<vmem>>, vector<16xf32>,
    %add3A_198 = arith.addf %add3A_180, %get3A_197 : vector<16xf32>
    %mul3A_199 = arith.constant 32 : i32
    %mul3A_200 = arith.muli %arg1, %mul3A_199 : i32
    %add3A_201 = arith.constant 0 : i32
    %add3A_202 = arith.addi %mul3A_200, %add3A_201 : i32
    %get3A_203 = arith.constant 9 : i32
    %get3A_204 = arith.index_cast %get3A_203 : i32 to index
    %get3A_205 = arith.index_cast %add3A_202 : i32 to index
    %get3A_206 = tpu.vector_load %arg12[%get3A_204, %get3A_205] {strides = array<i32>} : memref<16x512xi32, #tpu.memory_space<vmem>>, vector<16xi32>,
    %add3A_207 = arith.addi %add3A_189, %get3A_206 : vector<16xi32>
    %mul3A_208 = arith.constant 32 : i32
    %mul3A_209 = arith.muli %arg1, %mul3A_208 : i32
    %add3A_210 = arith.constant 0 : i32
    %add3A_211 = arith.addi %mul3A_209, %add3A_210 : i32
    %get3A_212 = arith.constant 10 : i32
    %get3A_213 = arith.index_cast %get3A_212 : i32 to index
    %get3A_214 = arith.index_cast %add3A_211 : i32 to index
    %get3A_215 = tpu.vector_load %arg11[%get3A_213, %get3A_214] {strides = array<i32>} : memref<16x512xf32, #tpu.memory_space<vmem>>, vector<16xf32>,
    %add3A_216 = arith.addf %add3A_198, %get3A_215 : vector<16xf32>
    %mul3A_217 = arith.constant 32 : i32
    %mul3A_218 = arith.muli %arg1, %mul3A_217 : i32
    %add3A_219 = arith.constant 0 : i32
    %add3A_220 = arith.addi %mul3A_218, %add3A_219 : i32
    %get3A_221 = arith.constant 10 : i32
    %get3A_222 = arith.index_cast %get3A_221 : i32 to index
    %get3A_223 = arith.index_cast %add3A_220 : i32 to index
    %get3A_224 = tpu.vector_load %arg12[%get3A_222, %get3A_223] {strides = array<i32>} : memref<16x512xi32, #tpu.memory_space<vmem>>, vector<16xi32>,
    %add3A_225 = arith.addi %add3A_207, %get3A_224 : vector<16xi32>
    %mul3A_226 = arith.constant 32 : i32
    %mul3A_227 = arith.muli %arg1, %mul3A_226 : i32
    %add3A_228 = arith.constant 0 : i32
    %add3A_229 = arith.addi %mul3A_227, %add3A_228 : i32
    %get3A_230 = arith.constant 11 : i32
    %get3A_231 = arith.index_cast %get3A_230 : i32 to index
    %get3A_232 = arith.index_cast %add3A_229 : i32 to index
    %get3A_233 = tpu.vector_load %arg11[%get3A_231, %get3A_232] {strides = array<i32>} : memref<16x512xf32, #tpu.memory_space<vmem>>, vector<16xf32>,
    %add3A_234 = arith.addf %add3A_216, %get3A_233 : vector<16xf32>
    %mul3A_235 = arith.constant 32 : i32
    %mul3A_236 = arith.muli %arg1, %mul3A_235 : i32
    %add3A_237 = arith.constant 0 : i32
    %add3A_238 = arith.addi %mul3A_236, %add3A_237 : i32
    %get3A_239 = arith.constant 11 : i32
    %get3A_240 = arith.index_cast %get3A_239 : i32 to index
    %get3A_241 = arith.index_cast %add3A_238 : i32 to index
    %get3A_242 = tpu.vector_load %arg12[%get3A_240, %get3A_241] {strides = array<i32>} : memref<16x512xi32, #tpu.memory_space<vmem>>, vector<16xi32>,
    %add3A_243 = arith.addi %add3A_225, %get3A_242 : vector<16xi32>
    %mul3A_244 = arith.constant 32 : i32
    %mul3A_245 = arith.muli %arg1, %mul3A_244 : i32
    %add3A_246 = arith.constant 0 : i32
    %add3A_247 = arith.addi %mul3A_245, %add3A_246 : i32
    %get3A_248 = arith.constant 12 : i32
    %get3A_249 = arith.index_cast %get3A_248 : i32 to index
    %get3A_250 = arith.index_cast %add3A_247 : i32 to index
    %get3A_251 = tpu.vector_load %arg11[%get3A_249, %get3A_250] {strides = array<i32>} : memref<16x512xf32, #tpu.memory_space<vmem>>, vector<16xf32>,
    %add3A_252 = arith.addf %add3A_234, %get3A_251 : vector<16xf32>
    %mul3A_253 = arith.constant 32 : i32
    %mul3A_254 = arith.muli %arg1, %mul3A_253 : i32
    %add3A_255 = arith.constant 0 : i32
    %add3A_256 = arith.addi %mul3A_254, %add3A_255 : i32
    %get3A_257 = arith.constant 12 : i32
    %get3A_258 = arith.index_cast %get3A_257 : i32 to index
    %get3A_259 = arith.index_cast %add3A_256 : i32 to index
    %get3A_260 = tpu.vector_load %arg12[%get3A_258, %get3A_259] {strides = array<i32>} : memref<16x512xi32, #tpu.memory_space<vmem>>, vector<16xi32>,
    %add3A_261 = arith.addi %add3A_243, %get3A_260 : vector<16xi32>
    %mul3A_262 = arith.constant 32 : i32
    %mul3A_263 = arith.muli %arg1, %mul3A_262 : i32
    %add3A_264 = arith.constant 0 : i32
    %add3A_265 = arith.addi %mul3A_263, %add3A_264 : i32
    %get3A_266 = arith.constant 13 : i32
    %get3A_267 = arith.index_cast %get3A_266 : i32 to index
    %get3A_268 = arith.index_cast %add3A_265 : i32 to index
    %get3A_269 = tpu.vector_load %arg11[%get3A_267, %get3A_268] {strides = array<i32>} : memref<16x512xf32, #tpu.memory_space<vmem>>, vector<16xf32>,
    %add3A_270 = arith.addf %add3A_252, %get3A_269 : vector<16xf32>
    %mul3A_271 = arith.constant 32 : i32
    %mul3A_272 = arith.muli %arg1, %mul3A_271 : i32
    %add3A_273 = arith.constant 0 : i32
    %add3A_274 = arith.addi %mul3A_272, %add3A_273 : i32
    %get3A_275 = arith.constant 13 : i32
    %get3A_276 = arith.index_cast %get3A_275 : i32 to index
    %get3A_277 = arith.index_cast %add3A_274 : i32 to index
    %get3A_278 = tpu.vector_load %arg12[%get3A_276, %get3A_277] {strides = array<i32>} : memref<16x512xi32, #tpu.memory_space<vmem>>, vector<16xi32>,
    %add3A_279 = arith.addi %add3A_261, %get3A_278 : vector<16xi32>
    %mul3A_280 = arith.constant 32 : i32
    %mul3A_281 = arith.muli %arg1, %mul3A_280 : i32
    %add3A_282 = arith.constant 0 : i32
    %add3A_283 = arith.addi %mul3A_281, %add3A_282 : i32
    %get3A_284 = arith.constant 14 : i32
    %get3A_285 = arith.index_cast %get3A_284 : i32 to index
    %get3A_286 = arith.index_cast %add3A_283 : i32 to index
    %get3A_287 = tpu.vector_load %arg11[%get3A_285, %get3A_286] {strides = array<i32>} : memref<16x512xf32, #tpu.memory_space<vmem>>, vector<16xf32>,
    %add3A_288 = arith.addf %add3A_270, %get3A_287 : vector<16xf32>
    %mul3A_289 = arith.constant 32 : i32
    %mul3A_290 = arith.muli %arg1, %mul3A_289 : i32
    %add3A_291 = arith.constant 0 : i32
    %add3A_292 = arith.addi %mul3A_290, %add3A_291 : i32
    %get3A_293 = arith.constant 14 : i32
    %get3A_294 = arith.index_cast %get3A_293 : i32 to index
    %get3A_295 = arith.index_cast %add3A_292 : i32 to index
    %get3A_296 = tpu.vector_load %arg12[%get3A_294, %get3A_295] {strides = array<i32>} : memref<16x512xi32, #tpu.memory_space<vmem>>, vector<16xi32>,
    %add3A_297 = arith.addi %add3A_279, %get3A_296 : vector<16xi32>
    %mul3A_298 = arith.constant 32 : i32
    %mul3A_299 = arith.muli %arg1, %mul3A_298 : i32
    %add3A_300 = arith.constant 0 : i32
    %add3A_301 = arith.addi %mul3A_299, %add3A_300 : i32
    %get3A_302 = arith.constant 15 : i32
    %get3A_303 = arith.index_cast %get3A_302 : i32 to index
    %get3A_304 = arith.index_cast %add3A_301 : i32 to index
    %get3A_305 = tpu.vector_load %arg11[%get3A_303, %get3A_304] {strides = array<i32>} : memref<16x512xf32, #tpu.memory_space<vmem>>, vector<16xf32>,
    %add3A_306 = arith.addf %add3A_288, %get3A_305 : vector<16xf32>
    %mul3A_307 = arith.constant 32 : i32
    %mul3A_308 = arith.muli %arg1, %mul3A_307 : i32
    %add3A_309 = arith.constant 0 : i32
    %add3A_310 = arith.addi %mul3A_308, %add3A_309 : i32
    %get3A_311 = arith.constant 15 : i32
    %get3A_312 = arith.index_cast %get3A_311 : i32 to index
    %get3A_313 = arith.index_cast %add3A_310 : i32 to index
    %get3A_314 = tpu.vector_load %arg12[%get3A_312, %get3A_313] {strides = array<i32>} : memref<16x512xi32, #tpu.memory_space<vmem>>, vector<16xi32>,
    %add3A_315 = arith.addi %add3A_297, %get3A_314 : vector<16xi32>
    %mul3A_316 = arith.constant 7.812500e-03 : f32
    %mul3A_317 = vector.broadcast %mul3A_316 : f32 to vector<16xf32>
    %mul3A_318 = arith.mulf %add3A_306, %mul3A_317 : vector<16xf32>
    %convert_element_type3A = arith.sitofp %add3A_315 : vector<16xi32> to vector<16xf32>
    %max3A = arith.maximumf %convert_element_type3A, %broadcast_in_dim3A_7 : vector<16xf32>
    %div3A = arith.divf %mul3A_318, %max3A : vector<16xf32>
    %mul3A_319 = arith.constant 32 : i32
    %mul3A_320 = arith.muli %arg1, %mul3A_319 : i32
    %add3A_321 = arith.constant 16 : i32
    %add3A_322 = arith.addi %mul3A_320, %add3A_321 : i32
    %get3A_323 = arith.constant 0 : i32
    %get3A_324 = arith.index_cast %get3A_323 : i32 to index
    %get3A_325 = arith.index_cast %add3A_322 : i32 to index
    %get3A_326 = tpu.vector_load %arg11[%get3A_324, %get3A_325] {strides = array<i32>} : memref<16x512xf32, #tpu.memory_space<vmem>>, vector<16xf32>,
    %add3A_327 = arith.addf %broadcast_in_dim3A_3, %get3A_326 : vector<16xf32>
    %mul3A_328 = arith.constant 32 : i32
    %mul3A_329 = arith.muli %arg1, %mul3A_328 : i32
    %add3A_330 = arith.constant 16 : i32
    %add3A_331 = arith.addi %mul3A_329, %add3A_330 : i32
    %get3A_332 = arith.constant 0 : i32
    %get3A_333 = arith.index_cast %get3A_332 : i32 to index
    %get3A_334 = arith.index_cast %add3A_331 : i32 to index
    %get3A_335 = tpu.vector_load %arg12[%get3A_333, %get3A_334] {strides = array<i32>} : memref<16x512xi32, #tpu.memory_space<vmem>>, vector<16xi32>,
    %add3A_336 = arith.addi %broadcast_in_dim3A_5, %get3A_335 : vector<16xi32>
    %mul3A_337 = arith.constant 32 : i32
    %mul3A_338 = arith.muli %arg1, %mul3A_337 : i32
    %add3A_339 = arith.constant 16 : i32
    %add3A_340 = arith.addi %mul3A_338, %add3A_339 : i32
    %get3A_341 = arith.constant 1 : i32
    %get3A_342 = arith.index_cast %get3A_341 : i32 to index
    %get3A_343 = arith.index_cast %add3A_340 : i32 to index
    %get3A_344 = tpu.vector_load %arg11[%get3A_342, %get3A_343] {strides = array<i32>} : memref<16x512xf32, #tpu.memory_space<vmem>>, vector<16xf32>,
    %add3A_345 = arith.addf %add3A_327, %get3A_344 : vector<16xf32>
    %mul3A_346 = arith.constant 32 : i32
    %mul3A_347 = arith.muli %arg1, %mul3A_346 : i32
    %add3A_348 = arith.constant 16 : i32
    %add3A_349 = arith.addi %mul3A_347, %add3A_348 : i32
    %get3A_350 = arith.constant 1 : i32
    %get3A_351 = arith.index_cast %get3A_350 : i32 to index
    %get3A_352 = arith.index_cast %add3A_349 : i32 to index
    %get3A_353 = tpu.vector_load %arg12[%get3A_351, %get3A_352] {strides = array<i32>} : memref<16x512xi32, #tpu.memory_space<vmem>>, vector<16xi32>,
    %add3A_354 = arith.addi %add3A_336, %get3A_353 : vector<16xi32>
    %mul3A_355 = arith.constant 32 : i32
    %mul3A_356 = arith.muli %arg1, %mul3A_355 : i32
    %add3A_357 = arith.constant 16 : i32
    %add3A_358 = arith.addi %mul3A_356, %add3A_357 : i32
    %get3A_359 = arith.constant 2 : i32
    %get3A_360 = arith.index_cast %get3A_359 : i32 to index
    %get3A_361 = arith.index_cast %add3A_358 : i32 to index
    %get3A_362 = tpu.vector_load %arg11[%get3A_360, %get3A_361] {strides = array<i32>} : memref<16x512xf32, #tpu.memory_space<vmem>>, vector<16xf32>,
    %add3A_363 = arith.addf %add3A_345, %get3A_362 : vector<16xf32>
    %mul3A_364 = arith.constant 32 : i32
    %mul3A_365 = arith.muli %arg1, %mul3A_364 : i32
    %add3A_366 = arith.constant 16 : i32
    %add3A_367 = arith.addi %mul3A_365, %add3A_366 : i32
    %get3A_368 = arith.constant 2 : i32
    %get3A_369 = arith.index_cast %get3A_368 : i32 to index
    %get3A_370 = arith.index_cast %add3A_367 : i32 to index
    %get3A_371 = tpu.vector_load %arg12[%get3A_369, %get3A_370] {strides = array<i32>} : memref<16x512xi32, #tpu.memory_space<vmem>>, vector<16xi32>,
    %add3A_372 = arith.addi %add3A_354, %get3A_371 : vector<16xi32>
    %mul3A_373 = arith.constant 32 : i32
    %mul3A_374 = arith.muli %arg1, %mul3A_373 : i32
    %add3A_375 = arith.constant 16 : i32
    %add3A_376 = arith.addi %mul3A_374, %add3A_375 : i32
    %get3A_377 = arith.constant 3 : i32
    %get3A_378 = arith.index_cast %get3A_377 : i32 to index
    %get3A_379 = arith.index_cast %add3A_376 : i32 to index
    %get3A_380 = tpu.vector_load %arg11[%get3A_378, %get3A_379] {strides = array<i32>} : memref<16x512xf32, #tpu.memory_space<vmem>>, vector<16xf32>,
    %add3A_381 = arith.addf %add3A_363, %get3A_380 : vector<16xf32>
    %mul3A_382 = arith.constant 32 : i32
    %mul3A_383 = arith.muli %arg1, %mul3A_382 : i32
    %add3A_384 = arith.constant 16 : i32
    %add3A_385 = arith.addi %mul3A_383, %add3A_384 : i32
    %get3A_386 = arith.constant 3 : i32
    %get3A_387 = arith.index_cast %get3A_386 : i32 to index
    %get3A_388 = arith.index_cast %add3A_385 : i32 to index
    %get3A_389 = tpu.vector_load %arg12[%get3A_387, %get3A_388] {strides = array<i32>} : memref<16x512xi32, #tpu.memory_space<vmem>>, vector<16xi32>,
    %add3A_390 = arith.addi %add3A_372, %get3A_389 : vector<16xi32>
    %mul3A_391 = arith.constant 32 : i32
    %mul3A_392 = arith.muli %arg1, %mul3A_391 : i32
    %add3A_393 = arith.constant 16 : i32
    %add3A_394 = arith.addi %mul3A_392, %add3A_393 : i32
    %get3A_395 = arith.constant 4 : i32
    %get3A_396 = arith.index_cast %get3A_395 : i32 to index
    %get3A_397 = arith.index_cast %add3A_394 : i32 to index
    %get3A_398 = tpu.vector_load %arg11[%get3A_396, %get3A_397] {strides = array<i32>} : memref<16x512xf32, #tpu.memory_space<vmem>>, vector<16xf32>,
    %add3A_399 = arith.addf %add3A_381, %get3A_398 : vector<16xf32>
    %mul3A_400 = arith.constant 32 : i32
    %mul3A_401 = arith.muli %arg1, %mul3A_400 : i32
    %add3A_402 = arith.constant 16 : i32
    %add3A_403 = arith.addi %mul3A_401, %add3A_402 : i32
    %get3A_404 = arith.constant 4 : i32
    %get3A_405 = arith.index_cast %get3A_404 : i32 to index
    %get3A_406 = arith.index_cast %add3A_403 : i32 to index
    %get3A_407 = tpu.vector_load %arg12[%get3A_405, %get3A_406] {strides = array<i32>} : memref<16x512xi32, #tpu.memory_space<vmem>>, vector<16xi32>,
    %add3A_408 = arith.addi %add3A_390, %get3A_407 : vector<16xi32>
    %mul3A_409 = arith.constant 32 : i32
    %mul3A_410 = arith.muli %arg1, %mul3A_409 : i32
    %add3A_411 = arith.constant 16 : i32
    %add3A_412 = arith.addi %mul3A_410, %add3A_411 : i32
    %get3A_413 = arith.constant 5 : i32
    %get3A_414 = arith.index_cast %get3A_413 : i32 to index
    %get3A_415 = arith.index_cast %add3A_412 : i32 to index
    %get3A_416 = tpu.vector_load %arg11[%get3A_414, %get3A_415] {strides = array<i32>} : memref<16x512xf32, #tpu.memory_space<vmem>>, vector<16xf32>,
    %add3A_417 = arith.addf %add3A_399, %get3A_416 : vector<16xf32>
    %mul3A_418 = arith.constant 32 : i32
    %mul3A_419 = arith.muli %arg1, %mul3A_418 : i32
    %add3A_420 = arith.constant 16 : i32
    %add3A_421 = arith.addi %mul3A_419, %add3A_420 : i32
    %get3A_422 = arith.constant 5 : i32
    %get3A_423 = arith.index_cast %get3A_422 : i32 to index
    %get3A_424 = arith.index_cast %add3A_421 : i32 to index
    %get3A_425 = tpu.vector_load %arg12[%get3A_423, %get3A_424] {strides = array<i32>} : memref<16x512xi32, #tpu.memory_space<vmem>>, vector<16xi32>,
    %add3A_426 = arith.addi %add3A_408, %get3A_425 : vector<16xi32>
    %mul3A_427 = arith.constant 32 : i32
    %mul3A_428 = arith.muli %arg1, %mul3A_427 : i32
    %add3A_429 = arith.constant 16 : i32
    %add3A_430 = arith.addi %mul3A_428, %add3A_429 : i32
    %get3A_431 = arith.constant 6 : i32
    %get3A_432 = arith.index_cast %get3A_431 : i32 to index
    %get3A_433 = arith.index_cast %add3A_430 : i32 to index
    %get3A_434 = tpu.vector_load %arg11[%get3A_432, %get3A_433] {strides = array<i32>} : memref<16x512xf32, #tpu.memory_space<vmem>>, vector<16xf32>,
    %add3A_435 = arith.addf %add3A_417, %get3A_434 : vector<16xf32>
    %mul3A_436 = arith.constant 32 : i32
    %mul3A_437 = arith.muli %arg1, %mul3A_436 : i32
    %add3A_438 = arith.constant 16 : i32
    %add3A_439 = arith.addi %mul3A_437, %add3A_438 : i32
    %get3A_440 = arith.constant 6 : i32
    %get3A_441 = arith.index_cast %get3A_440 : i32 to index
    %get3A_442 = arith.index_cast %add3A_439 : i32 to index
    %get3A_443 = tpu.vector_load %arg12[%get3A_441, %get3A_442] {strides = array<i32>} : memref<16x512xi32, #tpu.memory_space<vmem>>, vector<16xi32>,
    %add3A_444 = arith.addi %add3A_426, %get3A_443 : vector<16xi32>
    %mul3A_445 = arith.constant 32 : i32
    %mul3A_446 = arith.muli %arg1, %mul3A_445 : i32
    %add3A_447 = arith.constant 16 : i32
    %add3A_448 = arith.addi %mul3A_446, %add3A_447 : i32
    %get3A_449 = arith.constant 7 : i32
    %get3A_450 = arith.index_cast %get3A_449 : i32 to index
    %get3A_451 = arith.index_cast %add3A_448 : i32 to index
    %get3A_452 = tpu.vector_load %arg11[%get3A_450, %get3A_451] {strides = array<i32>} : memref<16x512xf32, #tpu.memory_space<vmem>>, vector<16xf32>,
    %add3A_453 = arith.addf %add3A_435, %get3A_452 : vector<16xf32>
    %mul3A_454 = arith.constant 32 : i32
    %mul3A_455 = arith.muli %arg1, %mul3A_454 : i32
    %add3A_456 = arith.constant 16 : i32
    %add3A_457 = arith.addi %mul3A_455, %add3A_456 : i32
    %get3A_458 = arith.constant 7 : i32
    %get3A_459 = arith.index_cast %get3A_458 : i32 to index
    %get3A_460 = arith.index_cast %add3A_457 : i32 to index
    %get3A_461 = tpu.vector_load %arg12[%get3A_459, %get3A_460] {strides = array<i32>} : memref<16x512xi32, #tpu.memory_space<vmem>>, vector<16xi32>,
    %add3A_462 = arith.addi %add3A_444, %get3A_461 : vector<16xi32>
    %mul3A_463 = arith.constant 32 : i32
    %mul3A_464 = arith.muli %arg1, %mul3A_463 : i32
    %add3A_465 = arith.constant 16 : i32
    %add3A_466 = arith.addi %mul3A_464, %add3A_465 : i32
    %get3A_467 = arith.constant 8 : i32
    %get3A_468 = arith.index_cast %get3A_467 : i32 to index
    %get3A_469 = arith.index_cast %add3A_466 : i32 to index
    %get3A_470 = tpu.vector_load %arg11[%get3A_468, %get3A_469] {strides = array<i32>} : memref<16x512xf32, #tpu.memory_space<vmem>>, vector<16xf32>,
    %add3A_471 = arith.addf %add3A_453, %get3A_470 : vector<16xf32>
    %mul3A_472 = arith.constant 32 : i32
    %mul3A_473 = arith.muli %arg1, %mul3A_472 : i32
    %add3A_474 = arith.constant 16 : i32
    %add3A_475 = arith.addi %mul3A_473, %add3A_474 : i32
    %get3A_476 = arith.constant 8 : i32
    %get3A_477 = arith.index_cast %get3A_476 : i32 to index
    %get3A_478 = arith.index_cast %add3A_475 : i32 to index
    %get3A_479 = tpu.vector_load %arg12[%get3A_477, %get3A_478] {strides = array<i32>} : memref<16x512xi32, #tpu.memory_space<vmem>>, vector<16xi32>,
    %add3A_480 = arith.addi %add3A_462, %get3A_479 : vector<16xi32>
    %mul3A_481 = arith.constant 32 : i32
    %mul3A_482 = arith.muli %arg1, %mul3A_481 : i32
    %add3A_483 = arith.constant 16 : i32
    %add3A_484 = arith.addi %mul3A_482, %add3A_483 : i32
    %get3A_485 = arith.constant 9 : i32
    %get3A_486 = arith.index_cast %get3A_485 : i32 to index
    %get3A_487 = arith.index_cast %add3A_484 : i32 to index
    %get3A_488 = tpu.vector_load %arg11[%get3A_486, %get3A_487] {strides = array<i32>} : memref<16x512xf32, #tpu.memory_space<vmem>>, vector<16xf32>,
    %add3A_489 = arith.addf %add3A_471, %get3A_488 : vector<16xf32>
    %mul3A_490 = arith.constant 32 : i32
    %mul3A_491 = arith.muli %arg1, %mul3A_490 : i32
    %add3A_492 = arith.constant 16 : i32
    %add3A_493 = arith.addi %mul3A_491, %add3A_492 : i32
    %get3A_494 = arith.constant 9 : i32
    %get3A_495 = arith.index_cast %get3A_494 : i32 to index
    %get3A_496 = arith.index_cast %add3A_493 : i32 to index
    %get3A_497 = tpu.vector_load %arg12[%get3A_495, %get3A_496] {strides = array<i32>} : memref<16x512xi32, #tpu.memory_space<vmem>>, vector<16xi32>,
    %add3A_498 = arith.addi %add3A_480, %get3A_497 : vector<16xi32>
    %mul3A_499 = arith.constant 32 : i32
    %mul3A_500 = arith.muli %arg1, %mul3A_499 : i32
    %add3A_501 = arith.constant 16 : i32
    %add3A_502 = arith.addi %mul3A_500, %add3A_501 : i32
    %get3A_503 = arith.constant 10 : i32
    %get3A_504 = arith.index_cast %get3A_503 : i32 to index
    %get3A_505 = arith.index_cast %add3A_502 : i32 to index
    %get3A_506 = tpu.vector_load %arg11[%get3A_504, %get3A_505] {strides = array<i32>} : memref<16x512xf32, #tpu.memory_space<vmem>>, vector<16xf32>,
    %add3A_507 = arith.addf %add3A_489, %get3A_506 : vector<16xf32>
    %mul3A_508 = arith.constant 32 : i32
    %mul3A_509 = arith.muli %arg1, %mul3A_508 : i32
    %add3A_510 = arith.constant 16 : i32
    %add3A_511 = arith.addi %mul3A_509, %add3A_510 : i32
    %get3A_512 = arith.constant 10 : i32
    %get3A_513 = arith.index_cast %get3A_512 : i32 to index
    %get3A_514 = arith.index_cast %add3A_511 : i32 to index
    %get3A_515 = tpu.vector_load %arg12[%get3A_513, %get3A_514] {strides = array<i32>} : memref<16x512xi32, #tpu.memory_space<vmem>>, vector<16xi32>,
    %add3A_516 = arith.addi %add3A_498, %get3A_515 : vector<16xi32>
    %mul3A_517 = arith.constant 32 : i32
    %mul3A_518 = arith.muli %arg1, %mul3A_517 : i32
    %add3A_519 = arith.constant 16 : i32
    %add3A_520 = arith.addi %mul3A_518, %add3A_519 : i32
    %get3A_521 = arith.constant 11 : i32
    %get3A_522 = arith.index_cast %get3A_521 : i32 to index
    %get3A_523 = arith.index_cast %add3A_520 : i32 to index
    %get3A_524 = tpu.vector_load %arg11[%get3A_522, %get3A_523] {strides = array<i32>} : memref<16x512xf32, #tpu.memory_space<vmem>>, vector<16xf32>,
    %add3A_525 = arith.addf %add3A_507, %get3A_524 : vector<16xf32>
    %mul3A_526 = arith.constant 32 : i32
    %mul3A_527 = arith.muli %arg1, %mul3A_526 : i32
    %add3A_528 = arith.constant 16 : i32
    %add3A_529 = arith.addi %mul3A_527, %add3A_528 : i32
    %get3A_530 = arith.constant 11 : i32
    %get3A_531 = arith.index_cast %get3A_530 : i32 to index
    %get3A_532 = arith.index_cast %add3A_529 : i32 to index
    %get3A_533 = tpu.vector_load %arg12[%get3A_531, %get3A_532] {strides = array<i32>} : memref<16x512xi32, #tpu.memory_space<vmem>>, vector<16xi32>,
    %add3A_534 = arith.addi %add3A_516, %get3A_533 : vector<16xi32>
    %mul3A_535 = arith.constant 32 : i32
    %mul3A_536 = arith.muli %arg1, %mul3A_535 : i32
    %add3A_537 = arith.constant 16 : i32
    %add3A_538 = arith.addi %mul3A_536, %add3A_537 : i32
    %get3A_539 = arith.constant 12 : i32
    %get3A_540 = arith.index_cast %get3A_539 : i32 to index
    %get3A_541 = arith.index_cast %add3A_538 : i32 to index
    %get3A_542 = tpu.vector_load %arg11[%get3A_540, %get3A_541] {strides = array<i32>} : memref<16x512xf32, #tpu.memory_space<vmem>>, vector<16xf32>,
    %add3A_543 = arith.addf %add3A_525, %get3A_542 : vector<16xf32>
    %mul3A_544 = arith.constant 32 : i32
    %mul3A_545 = arith.muli %arg1, %mul3A_544 : i32
    %add3A_546 = arith.constant 16 : i32
    %add3A_547 = arith.addi %mul3A_545, %add3A_546 : i32
    %get3A_548 = arith.constant 12 : i32
    %get3A_549 = arith.index_cast %get3A_548 : i32 to index
    %get3A_550 = arith.index_cast %add3A_547 : i32 to index
    %get3A_551 = tpu.vector_load %arg12[%get3A_549, %get3A_550] {strides = array<i32>} : memref<16x512xi32, #tpu.memory_space<vmem>>, vector<16xi32>,
    %add3A_552 = arith.addi %add3A_534, %get3A_551 : vector<16xi32>
    %mul3A_553 = arith.constant 32 : i32
    %mul3A_554 = arith.muli %arg1, %mul3A_553 : i32
    %add3A_555 = arith.constant 16 : i32
    %add3A_556 = arith.addi %mul3A_554, %add3A_555 : i32
    %get3A_557 = arith.constant 13 : i32
    %get3A_558 = arith.index_cast %get3A_557 : i32 to index
    %get3A_559 = arith.index_cast %add3A_556 : i32 to index
    %get3A_560 = tpu.vector_load %arg11[%get3A_558, %get3A_559] {strides = array<i32>} : memref<16x512xf32, #tpu.memory_space<vmem>>, vector<16xf32>,
    %add3A_561 = arith.addf %add3A_543, %get3A_560 : vector<16xf32>
    %mul3A_562 = arith.constant 32 : i32
    %mul3A_563 = arith.muli %arg1, %mul3A_562 : i32
    %add3A_564 = arith.constant 16 : i32
    %add3A_565 = arith.addi %mul3A_563, %add3A_564 : i32
    %get3A_566 = arith.constant 13 : i32
    %get3A_567 = arith.index_cast %get3A_566 : i32 to index
    %get3A_568 = arith.index_cast %add3A_565 : i32 to index
    %get3A_569 = tpu.vector_load %arg12[%get3A_567, %get3A_568] {strides = array<i32>} : memref<16x512xi32, #tpu.memory_space<vmem>>, vector<16xi32>,
    %add3A_570 = arith.addi %add3A_552, %get3A_569 : vector<16xi32>
    %mul3A_571 = arith.constant 32 : i32
    %mul3A_572 = arith.muli %arg1, %mul3A_571 : i32
    %add3A_573 = arith.constant 16 : i32
    %add3A_574 = arith.addi %mul3A_572, %add3A_573 : i32
    %get3A_575 = arith.constant 14 : i32
    %get3A_576 = arith.index_cast %get3A_575 : i32 to index
    %get3A_577 = arith.index_cast %add3A_574 : i32 to index
    %get3A_578 = tpu.vector_load %arg11[%get3A_576, %get3A_577] {strides = array<i32>} : memref<16x512xf32, #tpu.memory_space<vmem>>, vector<16xf32>,
    %add3A_579 = arith.addf %add3A_561, %get3A_578 : vector<16xf32>
    %mul3A_580 = arith.constant 32 : i32
    %mul3A_581 = arith.muli %arg1, %mul3A_580 : i32
    %add3A_582 = arith.constant 16 : i32
    %add3A_583 = arith.addi %mul3A_581, %add3A_582 : i32
    %get3A_584 = arith.constant 14 : i32
    %get3A_585 = arith.index_cast %get3A_584 : i32 to index
    %get3A_586 = arith.index_cast %add3A_583 : i32 to index
    %get3A_587 = tpu.vector_load %arg12[%get3A_585, %get3A_586] {strides = array<i32>} : memref<16x512xi32, #tpu.memory_space<vmem>>, vector<16xi32>,
    %add3A_588 = arith.addi %add3A_570, %get3A_587 : vector<16xi32>
    %mul3A_589 = arith.constant 32 : i32
    %mul3A_590 = arith.muli %arg1, %mul3A_589 : i32
    %add3A_591 = arith.constant 16 : i32
    %add3A_592 = arith.addi %mul3A_590, %add3A_591 : i32
    %get3A_593 = arith.constant 15 : i32
    %get3A_594 = arith.index_cast %get3A_593 : i32 to index
    %get3A_595 = arith.index_cast %add3A_592 : i32 to index
    %get3A_596 = tpu.vector_load %arg11[%get3A_594, %get3A_595] {strides = array<i32>} : memref<16x512xf32, #tpu.memory_space<vmem>>, vector<16xf32>,
    %add3A_597 = arith.addf %add3A_579, %get3A_596 : vector<16xf32>
    %mul3A_598 = arith.constant 32 : i32
    %mul3A_599 = arith.muli %arg1, %mul3A_598 : i32
    %add3A_600 = arith.constant 16 : i32
    %add3A_601 = arith.addi %mul3A_599, %add3A_600 : i32
    %get3A_602 = arith.constant 15 : i32
    %get3A_603 = arith.index_cast %get3A_602 : i32 to index
    %get3A_604 = arith.index_cast %add3A_601 : i32 to index
    %get3A_605 = tpu.vector_load %arg12[%get3A_603, %get3A_604] {strides = array<i32>} : memref<16x512xi32, #tpu.memory_space<vmem>>, vector<16xi32>,
    %add3A_606 = arith.addi %add3A_588, %get3A_605 : vector<16xi32>
    %mul3A_607 = arith.constant 7.812500e-03 : f32
    %mul3A_608 = vector.broadcast %mul3A_607 : f32 to vector<16xf32>
    %mul3A_609 = arith.mulf %add3A_597, %mul3A_608 : vector<16xf32>
    %convert_element_type3A_610 = arith.sitofp %add3A_606 : vector<16xi32> to vector<16xf32>
    %max3A_611 = arith.maximumf %convert_element_type3A_610, %broadcast_in_dim3A_7 : vector<16xf32>
    %div3A_612 = arith.divf %mul3A_609, %max3A_611 : vector<16xf32>
    %add3A_613 = arith.constant 0 : i32
    %add3A_614 = vector.broadcast %add3A_613 : i32 to vector<16xi32>
    %add3A_615 = arith.addi %add3A_614, %iota3A : vector<16xi32>
    %add3A_616 = arith.constant 16 : i32
    %add3A_617 = vector.broadcast %add3A_616 : i32 to vector<16xi32>
    %add3A_618 = arith.addi %add3A_617, %iota3A : vector<16xi32>
    %scan3A_619 = arith.constant 0 : i32
    %scan3A_620 = arith.constant 0 : i32
    %scan3A_621 = arith.constant 128 : i32
    %scan3A_622 = arith.addi %scan3A_620, %scan3A_621 : i32
    %scan3A_623 = arith.constant 1 : i32
    scf.for %scan3A_628 = %scan3A_620 to %scan3A_622 step %scan3A_623  : i32 {
      %broadcast_in_dim3A_629 = vector.broadcast %scan3A_628 : i32 to vector<16xi32>
      tpu.vector_store_idx %arg10[%add3A_615, %broadcast_in_dim3A_629], %div3A : memref<32x128xf32, #tpu.memory_space<vmem>>[vector<16xi32>, vector<16xi32>], vector<16xf32>,
      tpu.vector_store_idx %arg10[%add3A_618, %broadcast_in_dim3A_629], %div3A_612 : memref<32x128xf32, #tpu.memory_space<vmem>>[vector<16xi32>, vector<16xi32>], vector<16xf32>,
    }
    %scan3A_624 = arith.constant 128 : i32
    %mul3A_625 = arith.constant 32 : i32
    %mul3A_626 = arith.muli %arg1, %mul3A_625 : i32
    %add3A_627 = arith.addi %mul3A_0, %mul3A_626 : i32
    "tpu.region"() ({
      %run_scoped3A = tpu.sem_alloc : memref<!tpu.dma_semaphore, #tpu.memory_space<semaphore_mem>>
      %dma_start3A_628 = arith.constant 0 : i32
      %dma_start3A_629 = tpu.memref_slice %arg4[%add3A_627, %dma_start3A_628] : memref<1024x128xf32, #tpu.memory_space<hbm>> -> memref<32x128xf32, #tpu.memory_space<hbm>>
      %dma_start3A_630 = arith.constant 0 : i32
      %dma_start3A_631 = tpu.memref_slice %arg4[%add3A_627, %dma_start3A_630] : memref<1024x128xf32, #tpu.memory_space<hbm>> -> memref<32x128xf32, #tpu.memory_space<hbm>>
      tpu.enqueue_dma source(%arg10 : memref<32x128xf32, #tpu.memory_space<vmem>>) target(%dma_start3A_631 : memref<32x128xf32, #tpu.memory_space<hbm>>) target_semaphore(%run_scoped3A : memref<!tpu.dma_semaphore, #tpu.memory_space<semaphore_mem>>)
      %dma_wait3A = arith.constant 0 : i32
      %dma_wait3A_632 = tpu.memref_slice %arg4[%add3A_627, %dma_wait3A] : memref<1024x128xf32, #tpu.memory_space<hbm>> -> memref<32x128xf32, #tpu.memory_space<hbm>>
      %dma_wait3A_633 = arith.constant 0 : i32
      %dma_wait3A_634 = tpu.memref_slice %arg4[%add3A_627, %dma_wait3A_633] : memref<1024x128xf32, #tpu.memory_space<hbm>> -> memref<32x128xf32, #tpu.memory_space<hbm>>
      tpu.wait_dma2 semaphore(%run_scoped3A : memref<!tpu.dma_semaphore, #tpu.memory_space<semaphore_mem>>) src(%arg10 : memref<32x128xf32, #tpu.memory_space<vmem>>) dst(%dma_wait3A_634 : memref<32x128xf32, #tpu.memory_space<hbm>>)
      tpu.yield
    }) : () -> ()
    return
  }
}

module attributes {stable_mosaic.version = 14 : i64} {
  func.func @_tc_body(%arg0: i32, %arg1: memref<1000x512xi32, #tpu.memory_space<vmem>>, %arg2: memref<1000x128xf32, #tpu.memory_space<vmem>>, %arg3: memref<512x128xf32, #tpu.memory_space<vmem>>) attributes {dimension_semantics = [#tpu.dimension_semantics<arbitrary>], iteration_bounds = array<i64: 6>, scalar_prefetch = 0 : i64, scratch_operands = 0 : i64, tpu.core_type = #tpu.core_type<tc>, window_params = [{transform_indices = @transform_0, window_bounds = array<i64: 1000, 512>}, {pipeline_mode = #tpu.pipeline_mode<synchronous>, transform_indices = @transform_1, window_bounds = array<i64: 1000, 128>}, {transform_indices = @transform_2, window_bounds = array<i64: 512, 128>}]} {
    %get3A = arith.constant 0 : index
    %get3A_0 = arith.constant 0 : index
    %get3A_1 = vector.load %arg1[%get3A, %get3A_0] : memref<1000x512xi32, #tpu.memory_space<vmem>>, vector<1000x512xi32>
    %get3A_2 = arith.constant 0 : index
    %get3A_3 = arith.constant 0 : index
    %get3A_4 = vector.load %arg2[%get3A_2, %get3A_3] : memref<1000x128xf32, #tpu.memory_space<vmem>>, vector<1000x128xf32>
    %reduce_sum3A = arith.constant dense<0.000000e+00> : vector<1000xf32>
    %reduce_sum3A_5 = vector.multi_reduction <add>, %get3A_4, %reduce_sum3A [1] : vector<1000x128xf32> to vector<1000xf32>
    %convert_element_type3A = arith.sitofp %get3A_1 : vector<1000x512xi32> to vector<1000x512xf32>
    %dot_general3A = arith.constant dense<0.000000e+00> : vector<512xf32>
    %dot_general3A_6 = tpu.matmul %reduce_sum3A_5, %convert_element_type3A, %dot_general3A {dimension_numbers = #tpu.dot_dimension_numbers<[0], [0], [], [1], [1, 1], [], []>, transpose_lhs_hint = false} : vector<1000xf32>, vector<1000x512xf32>, vector<512xf32> -> vector<512xf32>
    %reduce_sum3A_7 = arith.constant dense<0.000000e+00> : vector<512xf32>
    %reduce_sum3A_8 = vector.multi_reduction <add>, %convert_element_type3A, %reduce_sum3A_7 [0] : vector<1000x512xf32> to vector<512xf32>
    %max3A = arith.constant 1.000000e+00 : f32
    %max3A_9 = vector.broadcast %max3A : f32 to vector<512xf32>
    %max3A_10 = arith.maximumf %reduce_sum3A_8, %max3A_9 : vector<512xf32>
    %mul3A = arith.constant 1.280000e+02 : f32
    %mul3A_11 = vector.broadcast %mul3A : f32 to vector<512xf32>
    %mul3A_12 = arith.mulf %max3A_10, %mul3A_11 : vector<512xf32>
    %div3A = arith.divf %dot_general3A_6, %mul3A_12 : vector<512xf32>
    %broadcast_in_dim3A = vector.shape_cast %div3A : vector<512xf32> to vector<512x1xf32>
    %broadcast_in_dim3A_13 = vector.shape_cast %broadcast_in_dim3A : vector<512x1xf32> to vector<512x1xf32>
    %broadcast_in_dim3A_14 = vector.broadcast %broadcast_in_dim3A_13 : vector<512x1xf32> to vector<512x128xf32>
    %swap3A = arith.constant 0 : index
    %swap3A_15 = arith.constant 0 : index
    %swap3A_16 = vector.load %arg3[%swap3A, %swap3A_15] : memref<512x128xf32, #tpu.memory_space<vmem>>, vector<512x128xf32>
    tpu.vector_store %arg3[%swap3A, %swap3A_15], %broadcast_in_dim3A_14 {strides = array<i32>} : memref<512x128xf32, #tpu.memory_space<vmem>>, vector<512x128xf32>,
    return
  }
  func.func @transform_0(%arg0: i32) -> (i32, i32) {
    %add3A = arith.constant 2 : i32
    %add3A_0 = arith.addi %add3A, %arg0 : i32
    %c0_i32 = arith.constant 0 : i32
    %c0_i32_1 = arith.constant 0 : i32
    return %c0_i32, %add3A_0 : i32, i32
  }
  func.func @transform_1(%arg0: i32) -> (i32, i32) {
    %c0_i32 = arith.constant 0 : i32
    %c0_i32_0 = arith.constant 0 : i32
    %c0_i32_1 = arith.constant 0 : i32
    return %c0_i32, %c0_i32_0 : i32, i32
  }
  func.func @transform_2(%arg0: i32) -> (i32, i32) {
    %c0_i32 = arith.constant 0 : i32
    %c0_i32_0 = arith.constant 0 : i32
    return %arg0, %c0_i32 : i32, i32
  }
}

module attributes {stable_mosaic.version = 14 : i64} {
  func.func @_row_sums_body(%arg0: memref<1000x128xf32, #tpu.memory_space<vmem>>, %arg1: memref<1000xf32, #tpu.memory_space<vmem>>) attributes {dimension_semantics = [], scalar_prefetch = 0 : i64, scratch_operands = 0 : i64, tpu.core_type = #tpu.core_type<tc>} {
    %get3A = arith.constant 0 : index
    %get3A_0 = arith.constant 0 : index
    %get3A_1 = vector.load %arg0[%get3A, %get3A_0] : memref<1000x128xf32, #tpu.memory_space<vmem>>, vector<1000x128xf32>
    %reduce_sum3A = arith.constant dense<0.000000e+00> : vector<1000xf32>
    %reduce_sum3A_2 = vector.multi_reduction <add>, %get3A_1, %reduce_sum3A [1] : vector<1000x128xf32> to vector<1000xf32>
    %swap3A = arith.constant 0 : index
    %swap3A_3 = vector.load %arg1[%swap3A] : memref<1000xf32, #tpu.memory_space<vmem>>, vector<1000xf32>
    tpu.vector_store %arg1[%swap3A], %reduce_sum3A_2 {strides = array<i32>} : memref<1000xf32, #tpu.memory_space<vmem>>, vector<1000xf32>,
    return
  }
}

</mosaic_0001>

<sc_bundles>
// kernel: kernel.5.cloned.1.call-start
scs
__scs_entry_jumppad:
0x0: {  	(pc) =	sbr.rel $0x88, $3  }
0x1: {  	(tag) =	ssettag $0x0;
	lr =	simm.s32 $0x1  }
0x2: {  	[smem:$0x3F9F] =	sst lr;
	_ =	strace $0xD0000000  }
0x3: {  	_ = 	snop  }
0x4: {  	_ = 	snop  }
0x5: {  	_ = 	snop  }
0x6: {  	_ = 	snop  }
0x7: {  	_ = 	snop  }
__scs_overlays_trampoline_lowered:
0x8: {  	[smem:$0x3FAE] =	sst s0  }
0x9: {  	[smem:$0x3FAF] =	sst s1  }
0xa: {  	[smem:$0x3FB0] =	sst s2  }
0xb: {  	[smem:$0x3FB1] =	sst s3  }
0xc: {  	[smem:$0x3FB2] =	sst s4  }
0xd: {  	[smem:$0x3FB3] =	sst s5  }
0xe: {  	[smem:$0x3FB4] =	sst s6  }
0xf: {  	[smem:$0x3FB5] =	sst s7  }
0x10: {  	[smem:$0x3FB6] =	sst s8  }
0x11: {  	[smem:$0x3FB7] =	sst s9;
	s0 =	simm.s32 @!p0 $0x0  }
0x12: {  	s1 =	sld [smem:$0x3F9D];
	s0 =	simm.s32 @p0 $0x1  }
0x13: {  	[smem:$0x3FB8] =	sst s0;
	s0 =	simm.s32 @!p1 $0x0  }
0x14: {  	s2 =	sld [smem:$0x3F9C];
	s0 =	simm.s32 @p1 $0x1  }
0x15: {  	[smem:$0x3FB9] =	sst s0;
	s0 =	simm.s32 @!p2 $0x0  }
0x16: {  	s3 =	sld [smem:$0x3FDB];
	s0 =	simm.s32 @p2 $0x1  }
0x17: {  	s4 =	simm.s32 $0x1BF5;
	[smem:$0x3FBB] =	sst s0  }
0x18: {  	s0 =	sld [smem:$0x3F9E];
	_ =	swait.ge [sflag:s4], $0x0  }
0x19: {  	s7 =	sld [smem:$0x3F9F]  }
0x1a: {  	s8 =	sadd.s32 $0xFFFFE003, lr  }
0x1b: {  	s9 =	sadd.s32 $0xFFFFFEF7, lr;
	s5 =	simm.s32 $0xFFFFFFFF;
	p2 =	slt.u32 s8, $0xFFFFF086  }
0x1c: {  	p1 =	slt.u32 s9, $0xF7A;
	s5 =	simm.s32 @!p2 $0x0  }
0x1d: {  	s5 =	simm.s32 @p1 $0x1;
	p0 =	seq.s32 s7, s2  }
0x1e: {  	s7 =	smul.u32 @!p0 $0xF7A, s2;
	p2 =	seq.s32 @!p0 s5, $0x0  }
0x1f: {  	s9 =	smul.u32 $0xF7A, s1;
	s8 =	simm.s32 @!p0 $0x1BF5;
	p2 =	por !p2, p0  }
0x20: {  	[sflag:s8] =	ssyncset.s32 @!p0 $0xFFFFF086;
	s6 =	sadd.s32 @!p0 s3, s7;
	s7 =	simm.s32 @!p0 $0x108  }
0x21: {  	s3 =	sadd.s32 s3, s9;
	s6 =	sadd.s32 @!p0 $0x88, s6;
	s7 =	simm.s32 @p2 $0x1082  }
0x22: {  	[simem:s7], [sflag:s8] =	dma.local @!p0 [hbm:s6], $0xF7A  }
0x23: {  	s9 =	sor.u32 $0xD0000000, s2;
	s6 =	simm.s32 $0x108;
	_ =	swait.ge @!p0 [sflag:s8], $0x0  }
0x24: {  	s3 =	sadd.s32 $0x88, s3;
	s6 =	simm.s32 @!p1 $0x1082;
	[sflag:s4] =	ssyncset.s32 $0xFFFFF086  }
0x25: {  	[simem:s6], [sflag:s4] =	dma.local [hbm:s3], $0xF7A  }
0x26: {  	[smem:$0x3F9F] =	sst s1;
	(tag) =	ssettag s2;
	_ =	strace s9  }
0x27: {  	s1 =	sld [smem:$0x3FAF]  }
0x28: {  	s2 =	sld [smem:$0x3FB0]  }
0x29: {  	s4 =	sld [smem:$0x3FB2]  }
0x2a: {  	p0 =	seq.s32 s5, $0x0;
	s5 =	sld [smem:$0x3FB3]  }
0x2b: {  	s6 =	sld [smem:$0x3FB4]  }
0x2c: {  	s7 =	sld [smem:$0x3FB5]  }
0x2d: {  	s3 =	simm.s32 $0x108;
	s8 =	sld [smem:$0x3FB6]  }
0x2e: {  	s3 =	simm.s32 @!p0 $0x1082;
	s9 =	sld [smem:$0x3FB7]  }
0x2f: {  	lr =	sadd.s32 s0, s3;
	s0 =	sld [smem:$0x3FAE]  }
0x30: {  	s3 =	sld [smem:$0x3FB1]  }
0x31: {  	[smem:$0x3FBA] =	sst s10  }
0x32: {  	s10 =	sld [smem:$0x3FB8];
	_ =	sdelay $0x3  }
0x33: {  	p0 =	seq.s32 s10, $0x1;
	s10 =	sld [smem:$0x3FBA];
	_ =	sdelay $0x3  }
0x34: {  	[smem:$0x3FBA] =	sst s10  }
0x35: {  	s10 =	sld [smem:$0x3FB9];
	_ =	sdelay $0x3  }
0x36: {  	p1 =	seq.s32 s10, $0x1;
	s10 =	sld [smem:$0x3FBA];
	_ =	sdelay $0x3  }
0x37: {  	[smem:$0x3FBA] =	sst s10  }
0x38: {  	s10 =	sld [smem:$0x3FBB]  }
0x39: {  	_ = 	snop;
	(pc) =	sbr.ind lr, $3  }
0x3a: {  	_ = 	snop  }
0x3b: {  	_ = 	snop  }
0x3c: {  	p2 =	seq.s32 s10, $0x1;
	s10 =	sld [smem:$0x3FBA]  }
0x3d: {  	_ =	shalt  }
0x3e: {  	_ =	shalt  }
0x3f: {  	_ =	shalt  }
0x40: {  	_ =	shalt  }
0x41: {  	_ =	shalt  }
0x42: {  	_ =	shalt  }
0x43: {  	_ =	shalt  }
0x44: {  	_ =	shalt  }
0x45: {  	_ =	shalt  }
0x46: {  	_ =	shalt  }
0x47: {  	_ =	shalt  }
0x48: {  	_ =	shalt  }
0x49: {  	_ =	shalt  }
0x4a: {  	_ =	shalt  }
0x4b: {  	_ =	shalt  }
0x4c: {  	_ =	shalt  }
0x4d: {  	_ =	shalt  }
0x4e: {  	_ =	shalt  }
0x4f: {  	_ =	shalt  }
0x50: {  	_ =	shalt  }
0x51: {  	_ =	shalt  }
0x52: {  	_ =	shalt  }
0x53: {  	_ =	shalt  }
0x54: {  	_ =	shalt  }
0x55: {  	_ =	shalt  }
0x56: {  	_ =	shalt  }
0x57: {  	_ =	shalt  }
0x58: {  	_ =	shalt  }
0x59: {  	_ =	shalt  }
0x5a: {  	_ =	shalt  }
0x5b: {  	_ =	shalt  }
0x5c: {  	_ =	shalt  }
0x5d: {  	_ =	shalt  }
0x5e: {  	_ =	shalt  }
0x5f: {  	_ =	shalt  }
0x60: {  	_ =	shalt  }
0x61: {  	_ =	shalt  }
0x62: {  	_ =	shalt  }
0x63: {  	_ =	shalt  }
0x64: {  	_ =	shalt  }
0x65: {  	_ =	shalt  }
0x66: {  	_ =	shalt  }
0x67: {  	_ =	shalt  }
0x68: {  	_ =	shalt  }
0x69: {  	_ =	shalt  }
0x6a: {  	_ =	shalt  }
0x6b: {  	_ =	shalt  }
0x6c: {  	_ =	shalt  }
0x6d: {  	_ =	shalt  }
0x6e: {  	_ =	shalt  }
0x6f: {  	_ =	shalt  }
0x70: {  	_ =	shalt  }
0x71: {  	_ =	shalt  }
0x72: {  	_ =	shalt  }
0x73: {  	_ =	shalt  }
0x74: {  	_ =	shalt  }
0x75: {  	_ =	shalt  }
0x76: {  	_ =	shalt  }
0x77: {  	_ =	shalt  }
0x78: {  	_ =	shalt  }
0x79: {  	_ =	shalt  }
0x7a: {  	_ =	shalt  }
0x7b: {  	_ =	shalt  }
0x7c: {  	_ =	shalt  }
0x7d: {  	_ =	shalt  }
0x7e: {  	_ =	shalt  }
0x7f: {  	_ =	shalt  }
0x80: {  	_ =	shalt  }
0x81: {  	_ =	shalt  }
0x82: {  	_ =	shalt  }
0x83: {  	_ =	shalt  }
0x84: {  	_ =	shalt  }
0x85: {  	_ =	shalt  }
0x86: {  	_ =	shalt  }
0x87: {  	_ =	shalt  }
.Lfunc_end0:
.L_simem_size_0:
called_computation_lowered:
.L_overlay_start_0:
0x88: {  	s2 =	sld [smem:$0x3FD9]  }
0x89: {  	s3 =	sld [smem:$0x3FFE];
	_ =	sdelay $0x1  }
0x8a: {  	s1 =	srdreg.scid  }
0x8b: {  	s0 =	sand.u32 $0x1, s1  }
0x8c: {  	s17 =	sshll.u32 s0, $0xA;
	s2 =	sadd.s32 s3, s2  }
0x8d: {  	s2 =	sadd.s32 s2, s17  }
0x8e: {  	[smem:$0x3FC6] =	sst s2  }
0x8f: {  	_ = 	snop  }
0x90: {  	s2 =	sld [smem:$0x3FC9]  }
0x91: {  	s18 =	sld [smem:$0x3FD0];
	(tm) =	ssettm $0x1  }
0x92: {  	s4 =	sld [smem:$0x3FFB];
	_ =	sdelay $0x3  }
0x93: {  	_ =	strace s4  }
0x94: {  	s4 =	sld [smem:$0x3FFC];
	_ =	sdelay $0x3  }
0x95: {  	_ =	strace s4  }
0x96: {  	s4 =	sld [smem:$0x3FFD];
	_ =	sdelay $0x3  }
0x97: {  	_ =	strace s4  }
0x98: {  	_ =	strace $0x8FFFFFFF  }
0x99: {  	s19 =	sld [smem:$0x3FDB];
	_ =	sdelay $0x1  }
0x9a: {  	s5 =	simm.s32 $_scs_section_size  }
0x9b: {  	s6 =	simm.s32 $_size__tile_overlayer_lowered;
	s7 =	simm.s32 $_tile_overlayer_lowered  }
0x9c: {  	s22 =	simm.s32 $0x1BFF;
	s21 =	sshll.u32 s7, $0x1;
	s4 =	sadd.s32 s5, s19  }
0x9d: {  	s8 =	simm.s32 $0x0;
	s20 =	sshll.u32 s6, $0x1;
	s6 =	sadd.s32 s21, s4  }
0x9e: {  	[timem:s8], [sflag:s22] =	dma.local [hbm:s6], s20  }
0x9f: {  	_ =	swait.ge [sflag:s22], s20  }
0xa0: {  	s5 =	ssub.s32 $0x0, s20;
	[sflag:s22] =	ssyncset.done $0x0  }
0xa1: {  	[sflag:s22] =	ssyncadd.s32 s5;
	_ =	sdelay $0x1  }
0xa2: {  	s23 =	simm.s32 $0x1B8B  }
0xa3: {  	_ =	swait.ge [sflag:s23], $0x1  }
0xa4: {  	[sflag:s23] =	ssyncset.done $0x0  }
0xa5: {  	s25 =	simm.s32 $0x1B8E;
	s24 =	sld [smem:$0x3FFE];
	[sflag:s23] =	ssyncadd.s32 $0xFFFFFFFF  }
0xa6: {  	s26 =	simm.s32 $execute0_lowered;
	[smem:$0x3FD2] =	sst s25  }
0xa7: {  	s6 =	sshll.u32 s26, $0x1;
	_ =	strace $0x80000046;
	[dreg:$0x1] =	wrdreg $0xFFFFFFFF  }
0xa8: {  	s28 =	simm.s32 $_size_execute0_lowered;
	s4 =	sadd.s32 s4, s6;
	[dreg:$0x0] =	wrdreg $0x0  }
0xa9: {  	s6 =	sshll.u32 s28, $0x1;
	[dreg:$0x2] =	wrdreg s4  }
0xaa: {  	[dreg:$0x3] =	wrdreg s6  }
0xab: {  	[dreg:$0x4] =	wrdreg $0xC0  }
0xac: {  	_ =	task [dreg:s8], $0x5FFFF  }
0xad: {  	[dreg:$0x1] =	wrdreg $0xFFFFFFFF  }
0xae: {  	[dreg:$0x0] =	wrdreg $0x60  }
0xaf: {  	[dreg:$0x2] =	wrdreg s2  }
0xb0: {  	[dreg:$0x3] =	wrdreg s18  }
0xb1: {  	[dreg:$0x4] =	wrdreg s24  }
0xb2: {  	[dreg:$0x5] =	wrdreg $0x78000  }
0xb3: {  	[dreg:$0x6] =	wrdreg $0x7A000  }
0xb4: {  	[dreg:$0x7] =	wrdreg $0x9  }
0xb5: {  	_ =	task.clear_ibuf [dreg:s8], $0x8FFFF;
	_ =	strace $0x90000046  }
0xb6: {  	s29 =	simm.s32 $0x9;
	_ =	strace $0x80000048  }
0xb7: {  	_ =	swait.ge [sflag:s29], $0x1  }
0xb8: {  	[sflag:s29] =	ssyncadd.s32 $0xFFFFFFFF  }
0xb9: {  	_ =	strace $0x90000048  }
0xba: {  	_ =	sfence  }
0xbb: {  	s30 =	sld [smem:$0x0];
	_ =	sdelay $0x2  }
0xbc: {  	s31 =	sshll.u32 s1, $0xD;
	s1 =	sshrl.u32 s1, $0x2  }
0xbd: {  	s3 =	sand.u32 $0x4000, s31;
	s1 =	sadd.s32 s1, s30  }
0xbe: {  	s0 =	sor.u32 s3, s0;
	s1 =	sshll.u32 s1, $0x11  }
0xbf: {  	s0 =	sor.u32 s1, s0  }
0xc0: {  	s0 =	sadd.s32 $0x8F2B, s0  }
0xc1: {  	[sflag:s0] =	ssyncadd.remote.s32 $0x1  }
0xc2: {  	_ =	sfence.sel $0xFFFF  }
0xc3: {  	[dreg:$0x0] =	wrdreg $0xFFFFFFFF;
	(pc) =	sbr.abs _section_cstart, $3  }
0xc4: {  	[dreg:$0x1] =	wrdreg $0xFFFFFFFF  }
0xc5: {  	_ =	task.clear_ibuf [dreg:s8], $0x2FFFF;
	_ =	strace $0x9FFFFFFF  }
0xc6: {  	(tm) =	ssettm $0x7FFFFFFF  }
0xc7: {  	_ =	shalt  }
tec
execute0_lowered:
.L_overlay_start_1:
0x0: {  	(tag) =	ssettag $0x1  }
0x1: {  	s0 =	rddreg [dreg:$0x2]  }
0x2: {  	s21 =	stileid.u32;
	s1 =	srdreg.scid  }
0x3: {  	s2 =	simm.s32 $0x0;
	s3 =	sshll.u32 s21, $0x9;
	s1 =	sand.u32 $0x1, s1  }
0x4: {  	[smem:$0x7FF] =	sst s2;
	s6 =	sshll.u32 s21, $0xF;
	s16 =	sshll.u32 s21, $0x7  }
0x5: {  	s17 =	sshll.u32 s21, $0x5;
	s7 =	sshll.u32 s21, $0x8;
	s0 =	sadd.s32 s3, s0  }
0x6: {  	s15 =	ssub.s32 $0x2, s1;
	s5 =	sshll.u32 s1, $0xC;
	s3 =	sand.u32 $0x1000, s3  }
0x7: {  	s8 =	sand.u32 $0xC00, s7;
	s4 =	sshrl.u32 s15, $0x1;
	s2 =	sor.u32 s5, s6  }
0x8: {  	s5 =	sand.u32 $0x380, s16;
	s6 =	sand.u32 $0x60, s17;
	s10 =	sor.u32 $0x1000, s8  }
0x9: {  	s11 =	sor.u32 $0x1080, s8;
	s13 =	sor.u32 $0x1100, s8;
	s14 =	sor.u32 $0x1180, s8  }
0xa: {  	s16 =	sor.u32 $0x1280, s8;
	s17 =	rddreg [dreg:$0x0];
	s12 =	sor.u32 s6, s10  }
0xb: {  	s4 =	ssub.s32 s15, s4;
	s18 =	sor.u32 s6, s11;
	[dreg:$0x6] =	wrdreg s12  }
0xc: {  	s5 =	sor.u32 s5, s3;
	s19 =	sor.u32 s6, s13;
	[dreg:$0x7] =	wrdreg s18  }
0xd: {  	s3 =	sor.u32 s6, s8;
	s20 =	sor.u32 s6, s14;
	[dreg:$0x8] =	wrdreg s19  }
0xe: {  	s15 =	sor.u32 $0x1200, s8;
	s23 =	sor.u32 s6, s16;
	[dreg:$0x9] =	wrdreg s20  }
0xf: {  	s22 =	sor.u32 s6, s15;
	[dreg:$0xb] =	wrdreg s23;
	s18 =	sor.u32 $0x1300, s7  }
0x10: {  	s19 =	sor.u32 $0x1380, s7;
	s20 =	sor.u32 $0x10, s6;
	[dreg:$0xa] =	wrdreg s22  }
0x11: {  	s24 =	sor.u32 s6, s18;
	s30 =	sor.u32 s20, s13;
	s13 =	rddreg [dreg:$0x3]  }
0x12: {  	s12 =	sor.u32 s8, s20;
	s8 =	sor.u32 s20, s15;
	s15 =	rddreg [dreg:$0x4]  }
0x13: {  	s9 =	sor.u32 s7, s6;
	s6 =	sor.u32 s6, s19;
	[dreg:$0xc] =	wrdreg s24  }
0x14: {  	s26 =	sor.u32 s20, s10;
	[dreg:$0xd] =	wrdreg s6  }
0x15: {  	s28 =	sor.u32 s20, s11;
	[dreg:$0xe] =	wrdreg s26  }
0x16: {  	[dreg:$0xf] =	wrdreg s28  }
0x17: {  	s31 =	sor.u32 s20, s14;
	[dreg:$0x10] =	wrdreg s30  }
0x18: {  	[dreg:$0x11] =	wrdreg s31  }
0x19: {  	s10 =	sor.u32 s20, s16;
	[dreg:$0x12] =	wrdreg s8  }
0x1a: {  	p0 =	slt.u32 s21, $0xD;
	s11 =	sor.u32 s18, s20;
	[dreg:$0x13] =	wrdreg s10  }
0x1b: {  	s29 =	sshll.u32 s21, $0x3;
	s14 =	sor.u32 s19, s20;
	[dreg:$0x14] =	wrdreg s11  }
0x1c: {  	s25 =	sor.u32 s7, s20;
	[dreg:$0x15] =	wrdreg s14;
	s7 =	sadd.s32 s5, s13  }
0x1d: {  	s5 =	sadd.s32 s5, s15;
	_ =	strace $0x80000047;
	[dreg:$0x17] =	wrdreg s7  }
0x1e: {  	s1 =	sshll.u32 s1, $0xD;
	s18 =	sor.u32 $0x300, s9;
	[dreg:$0x18] =	wrdreg s5  }
0x1f: {  	s0 =	sadd.s32 s1, s0;
	s19 =	sor.u32 $0x380, s9;
	[dreg:$0x19] =	wrdreg s18  }
0x20: {  	s0 =	sadd.s32 $0x1A00, s0;
	s20 =	sor.u32 $0x300, s25;
	[dreg:$0x1a] =	wrdreg s19  }
0x21: {  	s4 =	smax.u32 s4, $0x1;
	s22 =	sor.u32 $0x380, s25;
	[dreg:$0x1b] =	wrdreg s20  }
0x22: {  	s23 =	sor.u32 $0x80, s3;
	s16 =	sshrl.u32 s2, $0x3;
	[dreg:$0x1c] =	wrdreg s22  }
0x23: {  	s9 =	simm.s32 $0x3;
	s26 =	simm.s32 $0x8;
	[dreg:$0x1d] =	wrdreg s0  }
0x24: {  	s1 =	sadd.s32 s17, s16;
	s24 =	sor.u32 $0x100, s3;
	[dreg:$0x1e] =	wrdreg s4  }
0x25: {  	s25 =	sor.u32 $0x180, s3;
	s28 =	sor.u32 $0x200, s3;
	[dreg:$0x16] =	wrdreg s1  }
0x26: {  	s30 =	sor.u32 $0x280, s3;
	s31 =	sor.u32 $0x80, s12;
	[smem:$0x7F8] =	sst s23  }
0x27: {  	s6 =	sor.u32 $0x180, s12;
	s8 =	sor.u32 $0x280, s12;
	[smem:$0x7F9] =	sst s24  }
0x28: {  	s10 =	simm.s32 $0x1;
	s11 =	simm.s32 $0x2;
	[smem:$0x7FA] =	sst s25  }
0x29: {  	v0 =	vlaneseq.u32;
	s13 =	simm.s32 $0x2800;
	s14 =	simm.s32 $0x0;
	[smem:$0x7FB] =	sst s28  }
0x2a: {  	v0 =	vmul.u32 $0x80, v0;
	s26 =	simm.s32 @!p0 $0x7;
	s0 =	simm.s32 $0x0;
	[smem:$0x7FC] =	sst s30  }
0x2b: {  	s1 =	sadd.s32 $0x10000, s1;
	[smem:$0x7FD] =	sst s31;
	s5 =	sor.u32 $0x100, s12  }
0x2c: {  	v1 =	vimm.f32 $0.0e+00;
	v2 =	vimm.s32 $0x0;
	v3 =	vor.u32 $0x800, v0;
	s7 =	sor.u32 $0x200, s12;
	s23 =	simm.s32 $0x400;
	[dreg:$0x1f] =	wrdreg s1  }
.LBB2_1:
0x2d: {  	s1 =	rddreg [dreg:$0x1]  }
0x2e: {  	[tilespmem:s0], [sflag:$0x3] =	stream.linear.gather [hbm4b:s1+s0], $0x400, $0x38;
	[tilespmem:$0x7C00] =	vst v63  }
0x2f: {  	_ =	swait.ge [sflag:s9], $0x400  }
0x30: {  	[sflag:s9] =	ssyncset.done $0x0  }
0x31: {  	s0 =	simm.s32 $0x40;
	s1 =	simm.s32 $0x0;
	[sflag:s9] =	ssyncadd.s32 $0xFFFFFC00  }
.LBB2_2:
0x32: {  	p0 =	sne.s32 s0, $0x7C0;
	[tilespmem:s1+$0x2400] =	vst v1;
	s15 =	smov.u32 s0;
	s0 =	sadd.s32 $0x40, s0  }
.Ltmp0:
0x33: {  	[tilespmem:s1+$0x2600] =	vst v2;
	(pc) =	sbr.rel @p0 .LBB2_2-.Ltmp0, $2  }
0x34: {  	_ =	sdelay $0x2  }
0x35: {  	s1 =	sshra.s32 s15, $0x2  }
.Ltmp1:
0x36: {  	[tilespmem:s1+$0x2400] =	vst v1;
	(pc) =	sbr.rel .LBB2_4-.Ltmp1, $4  }
0x37: {  	[tilespmem:s1+$0x2600] =	vst v2;
	s15 =	simm.s32 $0x0;
	s0 =	rddreg [dreg:$0x16]  }
0x38: {  	[tilespmem:s23], [sflag:$0x1] =	stream.linear.gather [hbm4b:s0+s15], $0x1000, $0x38;
	[tilespmem:$0x7C00] =	vst v63  }
0x39: {  	s30 =	rddreg [dreg:$0x1f];
	s31 =	simm.s32 $0x1400  }
0x3a: {  	[tilespmem:s31], [sflag:$0x2] =	stream.linear.gather [hbm4b:s30+s15], $0x1000, $0x38;
	[tilespmem:$0x7C00] =	vst v63  }
.LBB2_12:
0x3b: {  	s15 =	sadd.s32 $0x1, s15  }
0x3c: {  	p0 =	sne.s32 s15, $0x4  }
.Ltmp2:
0x3d: {  	_ = 	snop;
	(pc) =	sbr.rel @!p0 .LBB2_13-.Ltmp2, $1  }
0x3e: {  	_ =	sdelay $0x3  }
.LBB2_4:
0x3f: {  	s16 =	sshll.u32 s15, $0x1  }
0x40: {  	p0 =	sge.u32 s16, s26  }
.Ltmp3:
0x41: {  	_ = 	snop;
	(pc) =	sbr.rel @p0 .LBB2_8-.Ltmp3, $1  }
0x42: {  	_ =	sdelay $0x3  }
0x43: {  	s0 =	sshll.u32 s15, $0x8  }
0x44: {  	s0 =	sor.u32 s29, s0  }
0x45: {  	v4 =	vmov s0;
	s1 =	sor.u32 $0x1, s0  }
0x46: {  	v4 =	vand.u32 $0xFFFFFFF8, v4;
	v5 =	vmov s1  }
0x47: {  	s21 =	sor.u32 $0x2, s0;
	v4 =	vbroadcast v4, $0x0;
	v5 =	vand.u32 $0xFFFFFFF9, v5  }
0x48: {  	_ =	swait.ge [sflag:s10], $0x1000;
	s22 =	sor.u32 $0x3, s0;
	v6 =	vmov s21;
	v7 =	vbroadcast v5, $0x0  }
0x49: {  	[sflag:s10] =	ssyncset.done $0x0;
	s23 =	sor.u32 $0x4, s0;
	v5 =	vand.u32 $0xFFFFFFFA, v6;
	v6 =	vmov s22  }
0x4a: {  	s18 =	simm.s32 $0x2600;
	s24 =	sor.u32 $0x5, s0;
	[sflag:s10] =	ssyncadd.s32 $0xFFFFF000;
	v8 =	vbroadcast v5, $0x0;
	v5 =	vand.u32 $0xFFFFFFFB, v6;
	v6 =	vmov s23  }
0x4b: {  	s25 =	sor.u32 $0x6, s0;
	s21 =	simm.s32 $0x2400;
	v15 =	vld [tilespmem:s18+$0x0];
	v9 =	vbroadcast v5, $0x0;
	v5 =	vand.u32 $0xFFFFFFFC, v6;
	v6 =	vmov s24;
	s24 =	simm.s32 $0x0  }
0x4c: {  	v16 =	vld [tilespmem:s21+$0x0];
	v10 =	vbroadcast v5, $0x0;
	v5 =	vand.u32 $0xFFFFFFFD, v6;
	v6 =	vmov s25;
	s19 =	sand.u32 $0xC00, s24  }
0x4d: {  	s28 =	sand.u32 $0x60, s24;
	v11 =	vbroadcast v5, $0x0;
	v6 =	vand.u32 $0xFFFFFFFE, v6;
	s19 =	sadd.s32 $0x400, s19;
	v5 =	vld.idx.msk [tilespmem:v4+s24+$0x0], $0xffff  }
0x4e: {  	s20 =	sor.u32 $0x10, s28;
	v4 =	vbroadcast v6, $0x0;
	s1 =	sor.u32 s28, s19;
	v6 =	vld.idx.msk [tilespmem:v7+s24+$0x0], $0xffff  }
0x4f: {  	s4 =	sand.u32 $0x180, s24;
	s22 =	sor.u32 s20, s19;
	v17 =	vld [tilespmem:s1+$0x0]  }
0x50: {  	s19 =	sor.u32 s4, s20;
	v12 =	vld [tilespmem:s22+$0x80]  }
0x51: {  	v19 =	vld [tilespmem:s19+$0x2400]  }
0x52: {  	v13 =	vld [tilespmem:s22+$0x100]  }
0x53: {  	v7 =	vld.idx.msk [tilespmem:v8+s24+$0x0], $0xffff  }
0x54: {  	v8 =	vld.idx.msk [tilespmem:v11+s24+$0x0], $0xffff  }
0x55: {  	v11 =	vld [tilespmem:s22+$0x0]  }
0x56: {  	v20 =	vld [tilespmem:s1+$0x80]  }
0x57: {  	v14 =	vld [tilespmem:s22+$0x180]  }
0x58: {  	v22 =	vld [tilespmem:s1+$0x100]  }
0x59: {  	v9 =	vld.idx.msk [tilespmem:v9+s24+$0x0], $0xffff;
	v21 =	vcvt.s32.f32 v17  }
0x5a: {  	v10 =	vld.idx.msk [tilespmem:v10+s24+$0x0], $0xffff;
	v18 =	vcvt.s32.f32 v11  }
0x5b: {  	s23 =	sand.u32 $0x3, s24;
	v4 =	vld.idx.msk [tilespmem:v4+s24+$0x0], $0xffff;
	v21 =	vmul.f32 v21, v5  }
0x5c: {  	s0 =	sor.u32 $0x7, s0;
	s25 =	sshll.u32 s23, $0x5;
	v24 =	vcvt.s32.f32 v12;
	v17 =	vadd.s32 v15, v17;
	v15 =	vld [tilespmem:s22+$0x200];
	v23 =	vmul.f32 v18, v5  }
0x5d: {  	v25 =	vmov s0;
	s0 =	sadd.s32 $0x0, s25;
	v26 =	vadd.f32 v21, v16;
	v16 =	vadd.s32 v20, v17;
	v17 =	vld [tilespmem:s22+$0x280]  }
0x5e: {  	s28 =	sadd.s32 $0x10, s0;
	v18 =	vld [tilespmem:s1+$0x180];
	v19 =	vadd.f32 v23, v19;
	v23 =	vmul.f32 v24, v6;
	v24 =	vcvt.s32.f32 v13  }
0x5f: {  	s4 =	sor.u32 $0x300, s28;
	v20 =	vcvt.s32.f32 v20;
	v21 =	vld [tilespmem:s1+$0x200]  }
0x60: {  	v28 =	vcvt.s32.f32 v14;
	v27 =	vadd.f32 v23, v19;
	v24 =	vmul.f32 v24, v7;
	v19 =	vld [tilespmem:s4+$0x400]  }
0x61: {  	v29 =	vcvt.s32.f32 v22;
	v20 =	vmul.f32 v20, v6;
	v23 =	vadd.s32 v22, v16;
	v22 =	vld [tilespmem:s1+$0x280]  }
0x62: {  	s23 =	sor.u32 $0x380, s28;
	v16 =	vld.idx.msk [tilespmem:v25+s24+$0x0], $0xffff;
	v24 =	vadd.f32 v24, v27;
	v27 =	vmul.f32 v28, v9;
	v28 =	vcvt.s32.f32 v15  }
0x63: {  	s0 =	sor.u32 $0x300, s0;
	v25 =	vadd.f32 v20, v26;
	v26 =	vmul.f32 v29, v7;
	v20 =	vld [tilespmem:s23+$0x400];
	v29 =	vcvt.s32.f32 v18  }
0x64: {  	v30 =	vcvt.s32.f32 v17;
	v27 =	vadd.f32 v27, v24;
	v28 =	vmul.f32 v28, v10;
	v24 =	vld [tilespmem:s0+$0x400]  }
0x65: {  	s25 =	sor.u32 s24, s24;
	v33 =	vcvt.s32.f32 v21;
	v31 =	vadd.f32 v26, v25;
	v26 =	vld [tilespmem:s19+$0x2600];
	v32 =	vmul.f32 v29, v9  }
0x66: {  	s31 =	simm.s32 $0x0;
	s30 =	simm.s32 $0x2620;
	s28 =	sor.u32 $0x380, s25;
	v29 =	vcvt.s32.f32 v19;
	v27 =	vadd.f32 v28, v27;
	v28 =	vmul.f32 v30, v8  }
0x67: {  	s20 =	simm.s32 $0x20;
	s22 =	simm.s32 $0x2420;
	v25 =	vld [tilespmem:s28+$0x400];
	s0 =	simm.s32 $0x100;
	v30 =	vadd.f32 v32, v31;
	v31 =	vmul.f32 v33, v10;
	v32 =	vcvt.s32.f32 v22  }
.LBB2_6:
0x68: {  	s1 =	sand.u32 $0x60, s20;
	s23 =	sand.u32 $0xC00, s0;
	s31 =	sadd.s32 $0x2, s31;
	v27 =	vadd.f32 v28, v27;
	v28 =	vmul.f32 v29, v4;
	v29 =	vcvt.s32.f32 v20  }
0x69: {  	v33 =	vld [tilespmem:s30+$0x0];
	s23 =	sadd.s32 $0x400, s23;
	s28 =	sor.u32 $0x10, s1;
	p0 =	slt.u32 s31, $0x1E;
	v30 =	vadd.f32 v31, v30;
	v31 =	vmul.f32 v32, v8;
	v32 =	vcvt.s32.f32 v24  }
0x6a: {  	s4 =	sor.u32 s0, s20;
	v34 =	vld [tilespmem:s22+$0x0];
	s25 =	sor.u32 s1, s23;
	s1 =	sor.u32 s28, s23;
	v26 =	vadd.s32 v26, v11;
	v27 =	vadd.f32 v28, v27;
	v28 =	vmul.f32 v29, v16  }
0x6b: {  	s23 =	sor.u32 $0x380, s4;
	v11 =	vld [tilespmem:s1+$0x0];
	v29 =	vadd.f32 v31, v30;
	v30 =	vmul.f32 v32, v4;
	v12 =	vadd.s32 v12, v26  }
0x6c: {  	s4 =	sand.u32 $0x180, s20;
	v31 =	vcvt.s32.f32 v25;
	v26 =	vld [tilespmem:s25+$0x0];
	v13 =	vadd.s32 v13, v12;
	v27 =	vadd.f32 v28, v27  }
0x6d: {  	v18 =	vadd.s32 v18, v23;
	s4 =	sor.u32 s4, s28;
	v12 =	vld [tilespmem:s1+$0x80];
	v23 =	vadd.f32 v30, v29;
	v13 =	vadd.s32 v14, v13  }
0x6e: {  	v14 =	vadd.s32 v21, v18;
	v18 =	vmul.f32 v31, v16;
	v28 =	vld [tilespmem:s4+$0x2400];
	v15 =	vadd.s32 v15, v13;
	[tilespmem:s19+$0x2400] =	vst v27  }
0x6f: {  	v14 =	vadd.s32 v22, v14;
	v13 =	vld [tilespmem:s1+$0x100];
	v15 =	vadd.s32 v17, v15  }
0x70: {  	v22 =	vadd.s32 v24, v14;
	v18 =	vadd.f32 v18, v23;
	v17 =	vld [tilespmem:s25+$0x80];
	v21 =	vcvt.s32.f32 v11  }
0x71: {  	s24 =	sadd.s32 $0x1, s24;
	v19 =	vadd.s32 v19, v15;
	v23 =	vadd.s32 v33, v26;
	v24 =	vcvt.s32.f32 v26;
	v14 =	vld [tilespmem:s1+$0x180]  }
0x72: {  	s28 =	sand.u32 $0x3, s24;
	v22 =	vadd.s32 v25, v22;
	v26 =	vld [tilespmem:s25+$0x100];
	v21 =	vmul.f32 v21, v5;
	v27 =	vcvt.s32.f32 v12;
	[tilespmem:s21+$0x0] =	vst v18;
	s21 =	smov.u32 s22  }
0x73: {  	s28 =	sshll.u32 s28, $0x5;
	v19 =	vadd.s32 v20, v19;
	v24 =	vmul.f32 v24, v5;
	v15 =	vld [tilespmem:s1+$0x200];
	[tilespmem:s18+$0x0] =	vst v22;
	s18 =	smov.u32 s30  }
0x74: {  	s28 =	sadd.s32 s28, s0;
	v18 =	vld [tilespmem:s25+$0x180];
	v20 =	vadd.f32 v21, v28;
	v22 =	vmul.f32 v27, v6;
	v25 =	vcvt.s32.f32 v13;
	[tilespmem:s19+$0x2600] =	vst v19;
	s19 =	smov.u32 s4  }
0x75: {  	s4 =	sor.u32 $0x300, s28;
	v24 =	vadd.f32 v24, v34;
	v19 =	vadd.s32 v17, v23;
	v23 =	vcvt.s32.f32 v17;
	v17 =	vld [tilespmem:s1+$0x280];
	s1 =	sadd.s32 $0x10, s28  }
0x76: {  	v21 =	vld [tilespmem:s25+$0x200];
	v20 =	vadd.f32 v22, v20;
	v25 =	vmul.f32 v25, v7;
	v27 =	vcvt.s32.f32 v14;
	s28 =	sor.u32 $0x300, s1  }
0x77: {  	v28 =	vmul.f32 v23, v6;
	v23 =	vadd.s32 v26, v19;
	v26 =	vcvt.s32.f32 v26;
	v19 =	vld [tilespmem:s28+$0x400]  }
0x78: {  	s1 =	sor.u32 $0x380, s1;
	v22 =	vld [tilespmem:s25+$0x280];
	v25 =	vadd.f32 v25, v20;
	v27 =	vmul.f32 v27, v9;
	v29 =	vcvt.s32.f32 v15  }
.Ltmp4:
0x79: {  	v28 =	vadd.f32 v28, v24;
	v26 =	vmul.f32 v26, v7;
	v30 =	vcvt.s32.f32 v18;
	v20 =	vld [tilespmem:s1+$0x400];
	(pc) =	sbr.rel @p0 .LBB2_6-.Ltmp4, $4  }
0x7a: {  	v24 =	vld [tilespmem:s4+$0x400];
	v27 =	vadd.f32 v27, v25;
	v29 =	vmul.f32 v29, v10;
	v31 =	vcvt.s32.f32 v17  }
0x7b: {  	v32 =	vadd.f32 v26, v28;
	v30 =	vmul.f32 v30, v9;
	v33 =	vcvt.s32.f32 v21;
	v26 =	vld [tilespmem:s19+$0x2600]  }
0x7c: {  	s22 =	sadd.s32 $0x20, s22;
	v25 =	vld [tilespmem:s23+$0x400];
	v27 =	vadd.f32 v29, v27;
	v28 =	vmul.f32 v31, v8;
	v29 =	vcvt.s32.f32 v19  }
0x7d: {  	s20 =	sadd.s32 $0x20, s20;
	s0 =	sadd.s32 $0x100, s0;
	s30 =	sadd.s32 $0x20, s30;
	v30 =	vadd.f32 v30, v32;
	v31 =	vmul.f32 v33, v10;
	v32 =	vcvt.s32.f32 v22  }
0x7e: {  	_ = 	snop  }
0x7f: {  	v5 =	vadd.f32 v31, v30;
	v6 =	vmul.f32 v32, v8;
	v7 =	vcvt.s32.f32 v24  }
0x80: {  	v54 =	vadd.f32 v28, v27;
	v9 =	vmul.f32 v29, v4  }
0x81: {  	v5 =	vadd.f32 v6, v5;
	v4 =	vmul.f32 v7, v4;
	v55 =	vcvt.s32.f32 v25  }
0x82: {  	v56 =	vcvt.s32.f32 v20;
	v60 =	vadd.s32 v18, v23;
	v10 =	vadd.s32 v26, v11  }
0x83: {  	v57 =	vadd.s32 v12, v10;
	v4 =	vadd.f32 v4, v5;
	v5 =	vmul.f32 v55, v16  }
0x84: {  	v8 =	vadd.f32 v9, v54;
	v58 =	vmul.f32 v56, v16;
	v59 =	vadd.s32 v13, v57  }
0x85: {  	s0 =	sadd.s32 $0x2, s16;
	v9 =	vadd.s32 v21, v60;
	v7 =	vadd.s32 v14, v59;
	v4 =	vadd.f32 v5, v4  }
0x86: {  	p0 =	sge.u32 s0, s26;
	v62 =	vadd.s32 v22, v9;
	v61 =	vadd.s32 v15, v7;
	v5 =	vadd.f32 v58, v8  }
0x87: {  	s0 =	sshll.u32 @!p0 s0, $0x13;
	v63 =	vadd.s32 v24, v62;
	[tilespmem:s21+$0x0] =	vst v4;
	v4 =	vadd.s32 v17, v61  }
0x88: {  	s0 =	sor.u32 @!p0 s2, s0;
	[tilespmem:s19+$0x2400] =	vst v5;
	v5 =	vadd.s32 v25, v63;
	v4 =	vadd.s32 v19, v4  }
0x89: {  	s0 =	sshrl.u32 @!p0 s0, $0x3;
	[tilespmem:s18+$0x0] =	vst v5;
	v4 =	vadd.s32 v20, v4  }
0x8a: {  	s1 =	simm.s32 @!p0 $0x0;
	s4 =	simm.s32 @!p0 $0x400;
	s0 =	sadd.s32 @!p0 s17, s0;
	[tilespmem:s19+$0x2600] =	vst v4  }
0x8b: {  	[tilespmem:s4], [sflag:$0x1] =	stream.linear.gather @!p0 [hbm4b:s0+s1], $0x1000, $0x38;
	[tilespmem:$0x7C00] =	vst v63  }
.LBB2_8:
0x8c: {  	s0 =	sor.u32 $0x1, s16  }
0x8d: {  	p0 =	sge.u32 s0, s26  }
.Ltmp5:
0x8e: {  	_ = 	snop;
	(pc) =	sbr.rel @p0 .LBB2_12-.Ltmp5, $1  }
0x8f: {  	_ =	sdelay $0x3  }
0x90: {  	s0 =	sshll.u32 s0, $0x7  }
0x91: {  	s0 =	sor.u32 s29, s0  }
0x92: {  	v4 =	vmov s0;
	s1 =	sor.u32 $0x1, s0  }
0x93: {  	v4 =	vand.u32 $0xFFFFFFF8, v4;
	v5 =	vmov s1  }
0x94: {  	s21 =	sor.u32 $0x2, s0;
	v4 =	vbroadcast v4, $0x0;
	v5 =	vand.u32 $0xFFFFFFF9, v5  }
0x95: {  	_ =	swait.ge [sflag:s11], $0x1000;
	s22 =	sor.u32 $0x3, s0;
	v6 =	vmov s21;
	v7 =	vbroadcast v5, $0x0  }
0x96: {  	[sflag:s11] =	ssyncset.done $0x0;
	s23 =	sor.u32 $0x4, s0;
	v5 =	vand.u32 $0xFFFFFFFA, v6;
	v6 =	vmov s22  }
0x97: {  	s18 =	simm.s32 $0x2600;
	s24 =	sor.u32 $0x5, s0;
	[sflag:s11] =	ssyncadd.s32 $0xFFFFF000;
	v8 =	vbroadcast v5, $0x0;
	v5 =	vand.u32 $0xFFFFFFFB, v6;
	v6 =	vmov s23  }
0x98: {  	s19 =	simm.s32 $0x2400;
	s25 =	sor.u32 $0x6, s0;
	v15 =	vld [tilespmem:s18+$0x0];
	v9 =	vbroadcast v5, $0x0;
	v5 =	vand.u32 $0xFFFFFFFC, v6;
	v6 =	vmov s24;
	s24 =	simm.s32 $0x0  }
0x99: {  	v16 =	vld [tilespmem:s19+$0x0];
	v10 =	vbroadcast v5, $0x0;
	v5 =	vand.u32 $0xFFFFFFFD, v6;
	v6 =	vmov s25;
	s4 =	sand.u32 $0xC00, s24  }
0x9a: {  	s28 =	sand.u32 $0x60, s24;
	v11 =	vbroadcast v5, $0x0;
	v6 =	vand.u32 $0xFFFFFFFE, v6;
	s4 =	sadd.s32 $0x1400, s4;
	v5 =	vld.idx.msk [tilespmem:v4+s24+$0x0], $0xffff  }
0x9b: {  	s20 =	sor.u32 $0x10, s28;
	v4 =	vbroadcast v6, $0x0;
	s1 =	sor.u32 s28, s4;
	v6 =	vld.idx.msk [tilespmem:v7+s24+$0x0], $0xffff  }
0x9c: {  	s21 =	sand.u32 $0x180, s24;
	s22 =	sor.u32 s20, s4;
	v17 =	vld [tilespmem:s1+$0x0]  }
0x9d: {  	s21 =	sor.u32 s21, s20;
	v12 =	vld [tilespmem:s22+$0x80]  }
0x9e: {  	v19 =	vld [tilespmem:s21+$0x2400]  }
0x9f: {  	v13 =	vld [tilespmem:s22+$0x100]  }
0xa0: {  	v7 =	vld.idx.msk [tilespmem:v8+s24+$0x0], $0xffff  }
0xa1: {  	v8 =	vld.idx.msk [tilespmem:v11+s24+$0x0], $0xffff  }
0xa2: {  	v11 =	vld [tilespmem:s22+$0x0]  }
0xa3: {  	v20 =	vld [tilespmem:s1+$0x80]  }
0xa4: {  	v14 =	vld [tilespmem:s22+$0x180]  }
0xa5: {  	v22 =	vld [tilespmem:s1+$0x100]  }
0xa6: {  	v9 =	vld.idx.msk [tilespmem:v9+s24+$0x0], $0xffff;
	v21 =	vcvt.s32.f32 v17  }
0xa7: {  	v10 =	vld.idx.msk [tilespmem:v10+s24+$0x0], $0xffff;
	v18 =	vcvt.s32.f32 v11  }
0xa8: {  	s23 =	sand.u32 $0x3, s24;
	v4 =	vld.idx.msk [tilespmem:v4+s24+$0x0], $0xffff;
	v21 =	vmul.f32 v21, v5  }
0xa9: {  	s0 =	sor.u32 $0x7, s0;
	s25 =	sshll.u32 s23, $0x5;
	v24 =	vcvt.s32.f32 v12;
	v17 =	vadd.s32 v15, v17;
	v15 =	vld [tilespmem:s22+$0x200];
	v23 =	vmul.f32 v18, v5  }
0xaa: {  	v25 =	vmov s0;
	s0 =	sadd.s32 $0x0, s25;
	v26 =	vadd.f32 v21, v16;
	v16 =	vadd.s32 v20, v17;
	v17 =	vld [tilespmem:s22+$0x280]  }
0xab: {  	s28 =	sadd.s32 $0x10, s0;
	v18 =	vld [tilespmem:s1+$0x180];
	v19 =	vadd.f32 v23, v19;
	v23 =	vmul.f32 v24, v6;
	v24 =	vcvt.s32.f32 v13  }
0xac: {  	v20 =	vcvt.s32.f32 v20;
	v21 =	vld [tilespmem:s1+$0x200];
	s22 =	sor.u32 $0x300, s28  }
0xad: {  	v28 =	vcvt.s32.f32 v14;
	v27 =	vadd.f32 v23, v19;
	v24 =	vmul.f32 v24, v7;
	v19 =	vld [tilespmem:s22+$0x1400]  }
0xae: {  	v29 =	vcvt.s32.f32 v22;
	v20 =	vmul.f32 v20, v6;
	v23 =	vadd.s32 v22, v16;
	v22 =	vld [tilespmem:s1+$0x280]  }
0xaf: {  	s23 =	sor.u32 $0x380, s28;
	v16 =	vld.idx.msk [tilespmem:v25+s24+$0x0], $0xffff;
	v24 =	vadd.f32 v24, v27;
	v27 =	vmul.f32 v28, v9;
	v28 =	vcvt.s32.f32 v15  }
0xb0: {  	s0 =	sor.u32 $0x300, s0;
	v25 =	vadd.f32 v20, v26;
	v26 =	vmul.f32 v29, v7;
	v20 =	vld [tilespmem:s23+$0x1400];
	v29 =	vcvt.s32.f32 v18  }
0xb1: {  	v30 =	vcvt.s32.f32 v17;
	v27 =	vadd.f32 v27, v24;
	v28 =	vmul.f32 v28, v10;
	v24 =	vld [tilespmem:s0+$0x1400]  }
0xb2: {  	s25 =	sor.u32 s24, s24;
	v33 =	vcvt.s32.f32 v21;
	v31 =	vadd.f32 v26, v25;
	v26 =	vld [tilespmem:s21+$0x2600];
	v32 =	vmul.f32 v29, v9  }
0xb3: {  	s31 =	simm.s32 $0x0;
	s30 =	simm.s32 $0x2620;
	s28 =	sor.u32 $0x380, s25;
	v29 =	vcvt.s32.f32 v19;
	v27 =	vadd.f32 v28, v27;
	v28 =	vmul.f32 v30, v8  }
0xb4: {  	s20 =	simm.s32 $0x20;
	s22 =	simm.s32 $0x2420;
	v25 =	vld [tilespmem:s28+$0x1400];
	s0 =	simm.s32 $0x100;
	v30 =	vadd.f32 v32, v31;
	v31 =	vmul.f32 v33, v10;
	v32 =	vcvt.s32.f32 v22  }
.LBB2_10:
0xb5: {  	s1 =	sand.u32 $0x60, s20;
	s4 =	sand.u32 $0xC00, s0;
	s31 =	sadd.s32 $0x2, s31;
	v27 =	vadd.f32 v28, v27;
	v28 =	vmul.f32 v29, v4;
	v29 =	vcvt.s32.f32 v20  }
0xb6: {  	v33 =	vld [tilespmem:s30+$0x0];
	s4 =	sadd.s32 $0x1400, s4;
	s28 =	sor.u32 $0x10, s1;
	p0 =	slt.u32 s31, $0x1E;
	v30 =	vadd.f32 v31, v30;
	v31 =	vmul.f32 v32, v8;
	v32 =	vcvt.s32.f32 v24  }
0xb7: {  	s23 =	sor.u32 s0, s20;
	v34 =	vld [tilespmem:s22+$0x0];
	s25 =	sor.u32 s1, s4;
	s1 =	sor.u32 s28, s4;
	v26 =	vadd.s32 v26, v11;
	v27 =	vadd.f32 v28, v27;
	v28 =	vmul.f32 v29, v16  }
0xb8: {  	s23 =	sor.u32 $0x380, s23;
	v11 =	vld [tilespmem:s1+$0x0];
	v29 =	vadd.f32 v31, v30;
	v30 =	vmul.f32 v32, v4;
	v12 =	vadd.s32 v12, v26  }
0xb9: {  	s4 =	sand.u32 $0x180, s20;
	v31 =	vcvt.s32.f32 v25;
	v26 =	vld [tilespmem:s25+$0x0];
	v13 =	vadd.s32 v13, v12;
	v27 =	vadd.f32 v28, v27  }
0xba: {  	v18 =	vadd.s32 v18, v23;
	s4 =	sor.u32 s4, s28;
	v12 =	vld [tilespmem:s1+$0x80];
	v23 =	vadd.f32 v30, v29;
	v13 =	vadd.s32 v14, v13  }
0xbb: {  	v14 =	vadd.s32 v21, v18;
	v18 =	vmul.f32 v31, v16;
	v28 =	vld [tilespmem:s4+$0x2400];
	v15 =	vadd.s32 v15, v13;
	[tilespmem:s21+$0x2400] =	vst v27  }
0xbc: {  	v14 =	vadd.s32 v22, v14;
	v13 =	vld [tilespmem:s1+$0x100];
	v15 =	vadd.s32 v17, v15  }
0xbd: {  	v22 =	vadd.s32 v24, v14;
	v18 =	vadd.f32 v18, v23;
	v17 =	vld [tilespmem:s25+$0x80];
	v21 =	vcvt.s32.f32 v11  }
0xbe: {  	s24 =	sadd.s32 $0x1, s24;
	v19 =	vadd.s32 v19, v15;
	v23 =	vadd.s32 v33, v26;
	v24 =	vcvt.s32.f32 v26;
	v14 =	vld [tilespmem:s1+$0x180]  }
0xbf: {  	s28 =	sand.u32 $0x3, s24;
	v22 =	vadd.s32 v25, v22;
	v26 =	vld [tilespmem:s25+$0x100];
	v21 =	vmul.f32 v21, v5;
	v27 =	vcvt.s32.f32 v12;
	[tilespmem:s19+$0x0] =	vst v18;
	s19 =	smov.u32 s22  }
0xc0: {  	s28 =	sshll.u32 s28, $0x5;
	v19 =	vadd.s32 v20, v19;
	v24 =	vmul.f32 v24, v5;
	v15 =	vld [tilespmem:s1+$0x200];
	[tilespmem:s18+$0x0] =	vst v22;
	s18 =	smov.u32 s30  }
0xc1: {  	s28 =	sadd.s32 s28, s0;
	v18 =	vld [tilespmem:s25+$0x180];
	v20 =	vadd.f32 v21, v28;
	v22 =	vmul.f32 v27, v6;
	v25 =	vcvt.s32.f32 v13;
	[tilespmem:s21+$0x2600] =	vst v19;
	s21 =	smov.u32 s4  }
0xc2: {  	s4 =	sor.u32 $0x300, s28;
	v24 =	vadd.f32 v24, v34;
	v19 =	vadd.s32 v17, v23;
	v23 =	vcvt.s32.f32 v17;
	v17 =	vld [tilespmem:s1+$0x280];
	s1 =	sadd.s32 $0x10, s28  }
0xc3: {  	v21 =	vld [tilespmem:s25+$0x200];
	v20 =	vadd.f32 v22, v20;
	v25 =	vmul.f32 v25, v7;
	v27 =	vcvt.s32.f32 v14;
	s28 =	sor.u32 $0x300, s1  }
0xc4: {  	v28 =	vmul.f32 v23, v6;
	v23 =	vadd.s32 v26, v19;
	v26 =	vcvt.s32.f32 v26;
	v19 =	vld [tilespmem:s28+$0x1400]  }
0xc5: {  	s1 =	sor.u32 $0x380, s1;
	v22 =	vld [tilespmem:s25+$0x280];
	v25 =	vadd.f32 v25, v20;
	v27 =	vmul.f32 v27, v9;
	v29 =	vcvt.s32.f32 v15  }
.Ltmp6:
0xc6: {  	v28 =	vadd.f32 v28, v24;
	v26 =	vmul.f32 v26, v7;
	v30 =	vcvt.s32.f32 v18;
	v20 =	vld [tilespmem:s1+$0x1400];
	(pc) =	sbr.rel @p0 .LBB2_10-.Ltmp6, $4  }
0xc7: {  	v24 =	vld [tilespmem:s4+$0x1400];
	v27 =	vadd.f32 v27, v25;
	v29 =	vmul.f32 v29, v10;
	v31 =	vcvt.s32.f32 v17  }
0xc8: {  	v32 =	vadd.f32 v26, v28;
	v30 =	vmul.f32 v30, v9;
	v33 =	vcvt.s32.f32 v21;
	v26 =	vld [tilespmem:s21+$0x2600]  }
0xc9: {  	s22 =	sadd.s32 $0x20, s22;
	v25 =	vld [tilespmem:s23+$0x1400];
	v27 =	vadd.f32 v29, v27;
	v28 =	vmul.f32 v31, v8;
	v29 =	vcvt.s32.f32 v19  }
0xca: {  	s20 =	sadd.s32 $0x20, s20;
	s0 =	sadd.s32 $0x100, s0;
	s30 =	sadd.s32 $0x20, s30;
	v30 =	vadd.f32 v30, v32;
	v31 =	vmul.f32 v33, v10;
	v32 =	vcvt.s32.f32 v22  }
0xcb: {  	v7 =	vadd.f32 v28, v27;
	v57 =	vmul.f32 v29, v4  }
0xcc: {  	v5 =	vadd.f32 v31, v30;
	v6 =	vmul.f32 v32, v8;
	v9 =	vcvt.s32.f32 v24  }
0xcd: {  	v10 =	vcvt.s32.f32 v20;
	v61 =	vadd.s32 v18, v23;
	v11 =	vadd.s32 v26, v11  }
0xce: {  	v5 =	vadd.f32 v6, v5;
	v4 =	vmul.f32 v9, v4;
	v59 =	vcvt.s32.f32 v25  }
0xcf: {  	v7 =	vadd.f32 v57, v7;
	v60 =	vmul.f32 v10, v16;
	v58 =	vadd.s32 v12, v11  }
0xd0: {  	v6 =	vadd.s32 v13, v58;
	v4 =	vadd.f32 v4, v5;
	v5 =	vmul.f32 v59, v16  }
0xd1: {  	s0 =	sadd.s32 $0x3, s16;
	v62 =	vadd.s32 v21, v61;
	v7 =	vadd.f32 v60, v7;
	v6 =	vadd.s32 v14, v6  }
0xd2: {  	p0 =	sge.u32 s0, s26;
	v8 =	vadd.s32 v22, v62;
	v6 =	vadd.s32 v15, v6;
	v4 =	vadd.f32 v5, v4  }
.Ltmp7:
0xd3: {  	s0 =	sshll.u32 @!p0 s0, $0x13;
	v63 =	vadd.s32 v24, v8;
	[tilespmem:s21+$0x2400] =	vst v7;
	v5 =	vadd.s32 v17, v6;
	(pc) =	sbr.rel .LBB2_12-.Ltmp7, $4  }
0xd4: {  	s0 =	sor.u32 @!p0 s2, s0;
	v6 =	vadd.s32 v25, v63;
	v5 =	vadd.s32 v19, v5;
	[tilespmem:s19+$0x0] =	vst v4  }
0xd5: {  	s0 =	sshrl.u32 @!p0 s0, $0x3;
	v4 =	vadd.s32 v20, v5;
	[tilespmem:s18+$0x0] =	vst v6  }
0xd6: {  	s1 =	simm.s32 @!p0 $0x0;
	s4 =	simm.s32 @!p0 $0x1400;
	s0 =	sadd.s32 @!p0 s17, s0;
	[tilespmem:s21+$0x2600] =	vst v4  }
0xd7: {  	[tilespmem:s4], [sflag:$0x2] =	stream.linear.gather @!p0 [hbm4b:s0+s1], $0x1000, $0x38;
	[tilespmem:$0x7C00] =	vst v63  }
.LBB2_13:
0xd8: {  	s0 =	rddreg [dreg:$0x17]  }
0xd9: {  	s1 =	simm.s32 $0x400;
	s4 =	simm.s32 $0x80;
	s15 =	simm.s32 $0x2400  }
0xda: {  	[spmem:s0] =	stream.strided.scatter [tilespmem:s15], [sflag:$0x3], $0x200, s1, s4, $0x38;
	[tilespmem:$0x7C00] =	vst v63  }
0xdb: {  	_ =	swait.ge [sflag:s9], $0x200  }
0xdc: {  	[sflag:s9] =	ssyncset.done $0x0  }
0xdd: {  	s31 =	simm.s32 $0x2600;
	s30 =	rddreg [dreg:$0x18];
	[sflag:s9] =	ssyncadd.s32 $0xFFFFFE00  }
0xde: {  	[spmem:s30] =	stream.strided.scatter [tilespmem:s31], [sflag:$0x3], $0x200, s1, s4, $0x38;
	[tilespmem:$0x7C00] =	vst v63  }
0xdf: {  	_ =	swait.ge [sflag:s9], $0x200  }
0xe0: {  	[sflag:s9] =	ssyncset.done $0x0  }
0xe1: {  	[sflag:s9] =	ssyncadd.s32 $0xFFFFFE00  }
0xe2: {  	[bflag:$0x0] =	sbarrier.arrive $0xFFFF  }
0xe3: {  	s4 =	simm.s32 $0x3800;
	s1 =	rddreg [dreg:$0x3]  }
0xe4: {  	[tilespmem:s4], [sflag:$0x3] =	stream.linear.gather [spmem:s1], $0x2000, $0x38;
	[tilespmem:$0x7C00] =	vst v63  }
0xe5: {  	_ =	swait.ge [sflag:s9], $0x2000  }
0xe6: {  	[sflag:s9] =	ssyncset.done $0x0  }
0xe7: {  	[sflag:s9] =	ssyncadd.s32 $0xFFFFE000  }
0xe8: {  	s16 =	simm.s32 $0x5800;
	s15 =	rddreg [dreg:$0x4]  }
0xe9: {  	[tilespmem:s16], [sflag:$0x3] =	stream.linear.gather [spmem:s15], $0x2000, $0x38;
	[tilespmem:$0x7C00] =	vst v63  }
0xea: {  	_ =	swait.ge [sflag:s9], $0x2000  }
0xeb: {  	[sflag:s9] =	ssyncset.done $0x0  }
0xec: {  	[sflag:s9] =	ssyncadd.s32 $0xFFFFE000  }
0xed: {  	v4 =	vld [tilespmem:s3+$0x3800]  }
0xee: {  	s24 =	rddreg [dreg:$0x19];
	v5 =	vld [tilespmem:s3+$0x5800]  }
0xef: {  	v16 =	vld [tilespmem:s24+$0x3800]  }
0xf0: {  	s25 =	rddreg [dreg:$0x1a];
	v17 =	vld [tilespmem:s24+$0x5800]  }
0xf1: {  	v18 =	vld [tilespmem:s25+$0x3800]  }
0xf2: {  	s28 =	rddreg [dreg:$0x6];
	v19 =	vld [tilespmem:s25+$0x5800]  }
0xf3: {  	v20 =	vld [tilespmem:s28+$0x3800]  }
0xf4: {  	s30 =	rddreg [dreg:$0x7];
	v21 =	vld [tilespmem:s28+$0x5800]  }
0xf5: {  	v22 =	vld [tilespmem:s30+$0x3800]  }
0xf6: {  	s31 =	rddreg [dreg:$0x8];
	v23 =	vld [tilespmem:s30+$0x5800]  }
0xf7: {  	v24 =	vld [tilespmem:s31+$0x3800]  }
0xf8: {  	s1 =	rddreg [dreg:$0x9];
	v25 =	vld [tilespmem:s31+$0x5800]  }
0xf9: {  	s4 =	rddreg [dreg:$0xa];
	v26 =	vld [tilespmem:s1+$0x5800]  }
0xfa: {  	s15 =	rddreg [dreg:$0xb];
	v27 =	vld [tilespmem:s4+$0x5800]  }
0xfb: {  	s16 =	rddreg [dreg:$0xd];
	v28 =	vld [tilespmem:s15+$0x5800]  }
0xfc: {  	v30 =	vld [tilespmem:s16+$0x5800]  }
0xfd: {  	v31 =	vld [tilespmem:s12+$0x3800]  }
0xfe: {  	v32 =	vld [tilespmem:s12+$0x5800]  }
0xff: {  	v35 =	vld [tilespmem:s5+$0x3800]  }
0x100: {  	v36 =	vld [tilespmem:s5+$0x5800]  }
0x101: {  	v37 =	vld [tilespmem:s6+$0x3800]  }
0x102: {  	v38 =	vld [tilespmem:s6+$0x5800]  }
0x103: {  	v39 =	vld [tilespmem:s7+$0x3800]  }
0x104: {  	s18 =	sld [smem:$0x7F8];
	v40 =	vld [tilespmem:s7+$0x5800]  }
0x105: {  	v41 =	vld [tilespmem:s8+$0x3800]  }
0x106: {  	s19 =	sld [smem:$0x7F9];
	v42 =	vld [tilespmem:s8+$0x5800]  }
0x107: {  	v6 =	vld [tilespmem:s18+$0x3800]  }
0x108: {  	s20 =	sld [smem:$0x7FA];
	v7 =	vld [tilespmem:s18+$0x5800]  }
0x109: {  	v8 =	vld [tilespmem:s19+$0x3800]  }
0x10a: {  	s21 =	sld [smem:$0x7FB];
	v9 =	vld [tilespmem:s19+$0x5800]  }
0x10b: {  	v10 =	vld [tilespmem:s20+$0x3800]  }
0x10c: {  	s22 =	sld [smem:$0x7FC];
	v11 =	vld [tilespmem:s20+$0x5800]  }
0x10d: {  	v12 =	vld [tilespmem:s21+$0x3800];
	s18 =	sld [smem:$0x7FD]  }
0x10e: {  	v13 =	vld [tilespmem:s21+$0x5800]  }
0x10f: {  	v14 =	vld [tilespmem:s22+$0x3800]  }
0x110: {  	v33 =	vld [tilespmem:s18+$0x3800]  }
0x111: {  	s31 =	rddreg [dreg:$0xc];
	v15 =	vld [tilespmem:s22+$0x5800]  }
0x112: {  	s24 =	rddreg [dreg:$0xe];
	v29 =	vld [tilespmem:s31+$0x5800];
	v4 =	vadd.f32 $0.0e+00, v4  }
0x113: {  	v48 =	vld [tilespmem:s24+$0x5800];
	v31 =	vadd.f32 $0.0e+00, v31  }
0x114: {  	s25 =	rddreg [dreg:$0xf];
	v34 =	vld [tilespmem:s18+$0x5800];
	v4 =	vadd.f32 v6, v4  }
0x115: {  	v49 =	vld [tilespmem:s25+$0x3800];
	v31 =	vadd.f32 v33, v31  }
0x116: {  	s28 =	rddreg [dreg:$0x10];
	v50 =	vld [tilespmem:s25+$0x5800];
	v4 =	vadd.f32 v8, v4  }
0x117: {  	s21 =	rddreg [dreg:$0x1b];
	v51 =	vld [tilespmem:s28+$0x3800];
	v31 =	vadd.f32 v35, v31  }
0x118: {  	s22 =	rddreg [dreg:$0x1c];
	v44 =	vld [tilespmem:s21+$0x5800];
	v5 =	vadd.s32 v5, v7;
	v4 =	vadd.f32 v10, v4  }
0x119: {  	v45 =	vld [tilespmem:s22+$0x5800];
	v5 =	vadd.s32 v9, v5;
	v46 =	vadd.s32 v32, v34;
	v47 =	vadd.f32 v37, v31  }
0x11a: {  	v6 =	vld [tilespmem:s21+$0x3800];
	v5 =	vadd.s32 v11, v5;
	v9 =	vadd.s32 v36, v46;
	v4 =	vadd.f32 v12, v4  }
0x11b: {  	v52 =	vld [tilespmem:s28+$0x5800];
	v5 =	vadd.s32 v13, v5;
	v9 =	vadd.s32 v38, v9;
	v10 =	vadd.f32 v39, v47  }
0x11c: {  	s30 =	rddreg [dreg:$0x11];
	v8 =	vld [tilespmem:s22+$0x3800];
	v5 =	vadd.s32 v15, v5;
	v9 =	vadd.s32 v40, v9;
	v4 =	vadd.f32 v14, v4  }
0x11d: {  	v53 =	vld [tilespmem:s30+$0x5800];
	v5 =	vadd.s32 v17, v5;
	v9 =	vadd.s32 v42, v9;
	v10 =	vadd.f32 v41, v10  }
0x11e: {  	s19 =	rddreg [dreg:$0x12];
	v7 =	vld [tilespmem:s24+$0x3800];
	v5 =	vadd.s32 v19, v5;
	v9 =	vadd.s32 v44, v9;
	v4 =	vadd.f32 v16, v4  }
0x11f: {  	s20 =	rddreg [dreg:$0x13];
	v54 =	vld [tilespmem:s19+$0x5800];
	v5 =	vadd.s32 v21, v5;
	v9 =	vadd.s32 v45, v9;
	v6 =	vadd.f32 v6, v10  }
0x120: {  	v55 =	vld [tilespmem:s20+$0x5800];
	s21 =	rddreg [dreg:$0x14];
	v5 =	vadd.s32 v23, v5;
	v9 =	vadd.s32 v48, v9;
	v4 =	vadd.f32 v18, v4  }
0x121: {  	v56 =	vld [tilespmem:s21+$0x5800];
	s22 =	rddreg [dreg:$0x15];
	v5 =	vadd.s32 v25, v5;
	v6 =	vadd.f32 v8, v6;
	v8 =	vadd.s32 v50, v9  }
0x122: {  	v57 =	vld [tilespmem:s22+$0x5800];
	v5 =	vadd.s32 v26, v5;
	v4 =	vadd.f32 v20, v4;
	v8 =	vadd.s32 v52, v8  }
0x123: {  	v5 =	vadd.s32 v27, v5;
	v6 =	vadd.f32 v7, v6;
	v7 =	vadd.s32 v53, v8;
	v8 =	vld [tilespmem:s1+$0x3800]  }
0x124: {  	v58 =	vld [tilespmem:s30+$0x3800];
	v5 =	vadd.s32 v28, v5;
	v4 =	vadd.f32 v22, v4;
	v7 =	vadd.s32 v54, v7  }
0x125: {  	v5 =	vadd.s32 v29, v5;
	v6 =	vadd.f32 v49, v6;
	v7 =	vadd.s32 v55, v7  }
0x126: {  	v60 =	vld [tilespmem:s19+$0x3800];
	v5 =	vadd.s32 v30, v5;
	v4 =	vadd.f32 v24, v4;
	v7 =	vadd.s32 v56, v7  }
0x127: {  	v59 =	vld [tilespmem:s4+$0x3800];
	v5 =	vcvt.s32.f32 v5;
	v6 =	vadd.f32 v51, v6;
	v7 =	vadd.s32 v57, v7  }
0x128: {  	v4 =	vadd.f32 v8, v4;
	v8 =	vld [tilespmem:s20+$0x3800];
	v7 =	vcvt.s32.f32 v7  }
0x129: {  	v61 =	vld [tilespmem:s15+$0x3800];
	v5 =	vmax.f32 v5, $1.000000000e+00;
	v6 =	vadd.f32 v58, v6  }
0x12a: {  	(erf) = vrcp.f32 v5;
	v5 =	vld [tilespmem:s21+$0x3800];
	v7 =	vmax.f32 v7, $1.000000000e+00  }
0x12b: {  	v62 =	vld [tilespmem:s31+$0x3800];
	v6 =	vadd.f32 v60, v6;
	(erf) = vrcp.f32 v7  }
0x12c: {  	v63 =	vld [tilespmem:s22+$0x3800];
	v4 =	vadd.f32 v59, v4  }
0x12d: {  	v7 =	vld [tilespmem:s16+$0x3800];
	v6 =	vadd.f32 v8, v6  }
0x12e: {  	v4 =	vadd.f32 v61, v4  }
0x12f: {  	s31 =	simm.s32 $0x0;
	v5 =	vadd.f32 v5, v6  }
0x130: {  	v4 =	vadd.f32 v62, v4;
	v6 =	vmov s31  }
0x131: {  	v6 =	vand.u32 $0x7F, v6;
	v5 =	vadd.f32 v63, v5  }
0x132: {  	v4 =	vadd.f32 v7, v4  }
0x133: {  	v7 =	vpop (erf);
	v8 =	vbroadcast v6, $0x0;
	v5 =	vmul.f32 $7.812500000e-03, v5  }
0x134: {  	v4 =	vmul.f32 $7.812500000e-03, v4;
	v6 =	vpop (erf)  }
0x135: {  	v5 =	vmul.f32 v6, v5;
	v6 =	vor.u32 v0, v8  }
0x136: {  	s23 =	simm.s32 $0x400;
	s0 =	simm.s32 $0x1;
	v4 =	vmul.f32 v7, v4;
	v7 =	vor.u32 v3, v8  }
.LBB2_14:
0x137: {  	v8 =	vmov s0;
	p0 =	sne.s32 s0, $0x7F  }
.Ltmp8:
0x138: {  	s0 =	sadd.s32 $0x1, s0;
	v8 =	vand.u32 $0x7F, v8;
	(pc) =	sbr.rel @p0 .LBB2_14-.Ltmp8, $4  }
0x139: {  	v8 =	vbroadcast v8, $0x0  }
0x13a: {  	[tilespmem:v6+s13+$0x0] =	vst.idx.msk $0xffff, v4  }
0x13b: {  	v6 =	vor.u32 v0, v8;
	[tilespmem:v7+s13+$0x0] =	vst.idx.msk $0xffff, v5  }
0x13c: {  	v7 =	vor.u32 v3, v8  }
0x13d: {  	_ =	sdelay $0x3  }
0x13e: {  	[tilespmem:v6+s13+$0x0] =	vst.idx.msk $0xffff, v4  }
0x13f: {  	s0 =	simm.s32 $0x0;
	s1 =	rddreg [dreg:$0x1d];
	[tilespmem:v7+s13+$0x0] =	vst.idx.msk $0xffff, v5  }
0x140: {  	[hbm4b:s1+s0] =	stream.linear.scatter [tilespmem:s13], [sflag:$0x3], $0x1000, $0x38;
	[tilespmem:$0x7C00] =	vst v63  }
0x141: {  	_ =	swait.ge [sflag:s9], $0x1000  }
0x142: {  	s14 =	sadd.s32 $0x1, s14;
	s31 =	rddreg [dreg:$0x1e]  }
0x143: {  	p0 =	sne.s32 s14, s31  }
.Ltmp9:
0x144: {  	_ = 	snop;
	(pc) =	sbr.rel @p0 .LBB2_1-.Ltmp9, $3  }
0x145: {  	_ =	sdelay $0x1  }
0x146: {  	[sflag:s9] =	ssyncset.done $0x0  }
0x147: {  	[sflag:s9] =	ssyncadd.s32 $0xFFFFF000  }
0x148: {  	_ =	sfence.sel $0x180000  }
0x149: {  	[bflag:$0x0] =	sbarrier.arrive $0xFFFF  }
0x14a: {  	_ =	strace $0x90000047  }
0x14b: {  	s0 =	stileid.u32;
	[bflag:$0x2] =	sbarrier.arrive $0xFFFF  }
0x14c: {  	p0 =	sne.s32 s0, $0x0;
	s0 =	rddreg [dreg:$0x5]  }
0x14d: {  	s0 =	sadd.s32 @!p0 $0x100000, s0  }
0x14e: {  	[sflag:s0] =	ssyncadd.tile.s32 @!p0 $0x1;
	_ =	shalt  }
.Lfunc_end2:
_tile_overlayer_lowered:
.L_overlay_start_2:
0x14f: {  	(tag) =	ssettag $0x2  }
0x150: {  	s0 =	rddreg [dreg:$0x0];
	s2 =	stileid.u32  }
0x151: {  	s1 =	rddreg [dreg:$0x1];
	p0 =	sne.s32 s2, $0x0  }
0x152: {  	s3 =	rddreg [dreg:$0x2];
	[bflag:$0x3] =	sbarrier.arrive $0xFFFF;
	s2 =	simm.s32 @!p0 $0x1C03  }
0x153: {  	[timem:s3], [sflag:s2] =	dma.local @!p0 [hbm:s0], s1  }
0x154: {  	s0 =	simm.s32 @!p0 $0x3  }
0x155: {  	_ =	swait.ge @!p0 [sflag:s0], s1  }
0x156: {  	s1 =	ssub.s32 @!p0 $0x0, s1;
	[sflag:s0] =	ssyncset.done @!p0 $0x0  }
0x157: {  	[sflag:s0] =	ssyncadd.s32 @!p0 s1  }
0x158: {  	[bflag:$0x3] =	sbarrier.arrive $0xFFFF  }
0x159: {  	_ =	shalt  }

</sc_bundles>
